<compile_context>
chip_gen: v7x
topology: tpu7x:2x2x1
jax: 0.10.2.dev20260603
libtpu: 0.0.44.dev20260713+nightly
codegen_flags: <defaults>
</compile_context>

<pallas_src>
import functools

import jax
import jax.numpy as jnp
from jax import lax
from jax.experimental import pallas as pl
from jax.experimental.pallas import tpu as pltpu
from jax.experimental.pallas import tpu_sc as plsc

NC = 1
NS = 16
NW = NC * NS
L = 16

ROWS = 128
COLS = 32768
TC_ROWS = 96
SC_ROWS = ROWS - TC_ROWS
ROWS_PER_W = SC_ROWS // NW
GV = 8
GELEMS = GV * L
GROUPS = COLS // GELEMS
UNROLL_G = 4

TC_BR = 8

NEG_INF = float("-inf")


def _tournament(ks, is_):
    while len(ks) > 1:
        nk, ni = [], []
        for a in range(0, len(ks), 2):
            k0, i0 = ks[a], is_[a]
            k1, i1 = ks[a + 1], is_[a + 1]
            better = (k1 > k0) | ((k1 == k0) & (i1 < i0))
            nk.append(jnp.where(better, k1, k0))
            ni.append(jnp.where(better, i1, i0))
        ks, is_ = nk, ni
    return ks[0], is_[0]


@functools.partial(
    pl.kernel,
    out_type=jax.ShapeDtypeStruct((NW, L), jnp.int32),
    mesh=plsc.VectorSubcoreMesh(
        core_axis_name="c", subcore_axis_name="s", num_cores=NC,
        num_subcores=NS,
    ),
    scratch_types=[
        pltpu.VMEM((2, COLS), jnp.float32),
        pltpu.VMEM((L,), jnp.int32),
        pltpu.SemaphoreType.DMA,
        pltpu.SemaphoreType.DMA,
    ],
)
def _argmax_sc(logits_hbm, out_hbm, buf, res, sem0, sem1):
    wid = lax.axis_index("s") * NC + lax.axis_index("c")
    sems = (sem0, sem1)
    lane = lax.iota(jnp.int32, L)

    def start_dma(r, slot):
        return pltpu.async_copy(
            logits_hbm.at[TC_ROWS + wid * ROWS_PER_W + r], buf.at[slot], sems[slot]
        )

    cps = [None, None]
    cps[0] = start_dma(0, 0)
    res_vec = jnp.zeros((L,), jnp.int32)

    for r in range(ROWS_PER_W):
        slot = r & 1
        if r + 1 < ROWS_PER_W:
            cps[1 - slot] = start_dma(r + 1, 1 - slot)
        cps[slot].wait()

        m0 = jnp.full((L,), NEG_INF, jnp.float32)
        b0 = jnp.zeros((L,), jnp.int32)

        @plsc.parallel_loop(0, GROUPS, 1, unroll=UNROLL_G, carry=(m0, b0))
        def scan_carry(g, carry):
            m, bb = carry
            base = g * GELEMS
            v = [buf[slot, pl.ds(base + j * L, L)] for j in range(GV)]
            while len(v) > 1:
                v = [jnp.maximum(v[a], v[a + 1]) for a in range(0, len(v), 2)]
            pred = v[0] > m
            m = jnp.where(pred, v[0], m)
            bb = jnp.where(pred, g, bb)
            return m, bb

        m, bb = scan_carry

        _, gstar = _tournament(
            [m[j] for j in range(L)], [bb[j] for j in range(L)]
        )

        gbase = gstar * GELEMS
        ivbase = gbase + lane
        fm = jnp.full((L,), NEG_INF, jnp.float32)
        fi = jnp.zeros((L,), jnp.int32)
        for j in range(GV):
            v = buf[slot, pl.ds(gbase + j * L, L)]
            pred = v > fm
            fm = jnp.where(pred, v, fm)
            fi = jnp.where(pred, ivbase + j * L, fi)
        _, ridx = _tournament([fm[j] for j in range(L)], [fi[j] for j in range(L)])
        res_vec = jnp.where(lane == r, ridx, res_vec)

    res[...] = res_vec
    pltpu.sync_copy(res, out_hbm.at[wid])


def _tc_body(x_ref, o_ref):
    x = x_ref[...]
    mx = jnp.max(x, axis=1, keepdims=True)
    idx = lax.broadcasted_iota(jnp.int32, x.shape, 1)
    cand = jnp.where(x == mx, idx, COLS)
    o_ref[...] = jnp.min(cand, axis=1, keepdims=True)


_argmax_tc = pl.pallas_call(
    _tc_body,
    grid=(TC_ROWS // TC_BR,),
    in_specs=[pl.BlockSpec((TC_BR, COLS), lambda i: (i, 0))],
    out_specs=pl.BlockSpec((TC_BR, 1), lambda i: (i, 0)),
    out_shape=jax.ShapeDtypeStruct((TC_ROWS, 1), jnp.int32),
)


def kernel(logits):
    tc_idx = _argmax_tc(logits)
    staged = _argmax_sc(logits)
    sc_idx = staged[:, :ROWS_PER_W].reshape(SC_ROWS, 1)
    return jnp.concatenate([tc_idx, sc_idx], axis=0)

# --- scband reference (transcript-rebuilt; emitter-appended) ---
"""Pipeline reference for scband-top-ksampler-80178449481833 (READ-ONLY COPY).

The authoritative reference and input builder live on the scoring server;
editing this copy changes nothing except your own understanding.
"""

import jax, jax.numpy as jnp
import numpy as np

N_SAMPLES = 1

def setup_inputs(seed: int = 0) -> dict:
    key = jax.random.key(seed)
    logits = jax.random.normal(key, (128, 32768), dtype=jnp.float32)
    return {"logits": logits}

def reference(logits):
    # torch.topk(logits, n_samples, dim=1)[1] -> indices of the top-k entries along dim 1
    _, idx = jax.lax.top_k(logits, N_SAMPLES)
    return idx

if __name__ == "__main__":
    import jax
    _d = setup_inputs()
    print(jax.jit(kernel)(*tuple(_d.values())))

</pallas_src>

<mosaic_0001>
#map = affine_map<(d0, d1) -> (0, 0)>
module attributes {stable_mosaic.version = 14 : i64} {
  func.func @_argmax_sc(%arg0: i32, %arg1: i32, %arg2: memref<128x32768xf32, #tpu.memory_space<hbm>>, %arg3: memref<16x16xi32, #tpu.memory_space<hbm>>, %arg4: memref<2x32768xf32, #tpu.memory_space<vmem>>, %arg5: memref<16xi32, #tpu.memory_space<vmem>>, %arg6: memref<!tpu.dma_semaphore, #tpu.memory_space<semaphore_mem>>, %arg7: memref<!tpu.dma_semaphore, #tpu.memory_space<semaphore_mem>>) attributes {dimension_semantics = [#tpu.dimension_semantics<core_parallel>, #tpu.dimension_semantics<subcore_parallel>], iteration_bounds = array<i64: 1, 16>, scalar_prefetch = 0 : i64, scratch_operands = 4 : i64, tpu.core_type = #tpu.core_type<sc_vector_subcore>, window_params = [{transform_indices = #map}, {transform_indices = #map}]} {
    %mul3A = arith.constant 1 : i32
    %mul3A_0 = arith.muli %arg1, %mul3A : i32
    %add3A = arith.addi %mul3A_0, %arg0 : i32
    %iota3A = tpu.iota {dimensions = array<i32: 0>} : vector<16xi32>
    %mul3A_1 = arith.constant 2 : i32
    %mul3A_2 = arith.muli %add3A, %mul3A_1 : i32
    %add3A_3 = arith.constant 96 : i32
    %add3A_4 = arith.addi %add3A_3, %mul3A_2 : i32
    %add3A_5 = arith.constant 0 : i32
    %add3A_6 = arith.addi %add3A_4, %add3A_5 : i32
    %dma_start3A = arith.constant 0 : i32
    %dma_start3A_7 = arith.constant 0 : i32
    %dma_start3A_8 = tpu.memref_slice %arg4[%dma_start3A, %dma_start3A_7] : memref<2x32768xf32, #tpu.memory_space<vmem>> -> memref<1x32768xf32, #tpu.memory_space<vmem>>
    %dma_start3A_9 = tpu.memref_squeeze %dma_start3A_8 : memref<1x32768xf32, #tpu.memory_space<vmem>> -> memref<32768xf32, #tpu.memory_space<vmem>>
    %dma_start3A_10 = arith.constant 0 : i32
    %dma_start3A_11 = tpu.memref_slice %arg2[%add3A_6, %dma_start3A_10] : memref<128x32768xf32, #tpu.memory_space<hbm>> -> memref<1x32768xf32, #tpu.memory_space<hbm>>
    %dma_start3A_12 = tpu.memref_squeeze %dma_start3A_11 : memref<1x32768xf32, #tpu.memory_space<hbm>> -> memref<32768xf32, #tpu.memory_space<hbm>>
    %dma_start3A_13 = arith.constant 0 : i32
    %dma_start3A_14 = tpu.memref_slice %arg4[%dma_start3A, %dma_start3A_13] : memref<2x32768xf32, #tpu.memory_space<vmem>> -> memref<1x32768xf32, #tpu.memory_space<vmem>>
    %dma_start3A_15 = tpu.memref_squeeze %dma_start3A_14 : memref<1x32768xf32, #tpu.memory_space<vmem>> -> memref<32768xf32, #tpu.memory_space<vmem>>
    %dma_start3A_16 = arith.constant 0 : i32
    %dma_start3A_17 = tpu.memref_slice %arg2[%add3A_6, %dma_start3A_16] : memref<128x32768xf32, #tpu.memory_space<hbm>> -> memref<1x32768xf32, #tpu.memory_space<hbm>>
    %dma_start3A_18 = tpu.memref_squeeze %dma_start3A_17 : memref<1x32768xf32, #tpu.memory_space<hbm>> -> memref<32768xf32, #tpu.memory_space<hbm>>
    tpu.enqueue_dma source(%dma_start3A_18 : memref<32768xf32, #tpu.memory_space<hbm>>) target(%dma_start3A_15 : memref<32768xf32, #tpu.memory_space<vmem>>) target_semaphore(%arg6 : memref<!tpu.dma_semaphore, #tpu.memory_space<semaphore_mem>>)
    %broadcast_in_dim3A = arith.constant 0 : i32
    %broadcast_in_dim3A_19 = vector.broadcast %broadcast_in_dim3A : i32 to vector<16xi32>
    %mul3A_20 = arith.constant 2 : i32
    %mul3A_21 = arith.muli %add3A, %mul3A_20 : i32
    %add3A_22 = arith.constant 96 : i32
    %add3A_23 = arith.addi %add3A_22, %mul3A_21 : i32
    %add3A_24 = arith.constant 1 : i32
    %add3A_25 = arith.addi %add3A_23, %add3A_24 : i32
    %dma_start3A_26 = arith.constant 1 : i32
    %dma_start3A_27 = arith.constant 0 : i32
    %dma_start3A_28 = tpu.memref_slice %arg4[%dma_start3A_26, %dma_start3A_27] : memref<2x32768xf32, #tpu.memory_space<vmem>> -> memref<1x32768xf32, #tpu.memory_space<vmem>>
    %dma_start3A_29 = tpu.memref_squeeze %dma_start3A_28 : memref<1x32768xf32, #tpu.memory_space<vmem>> -> memref<32768xf32, #tpu.memory_space<vmem>>
    %dma_start3A_30 = arith.constant 0 : i32
    %dma_start3A_31 = tpu.memref_slice %arg2[%add3A_25, %dma_start3A_30] : memref<128x32768xf32, #tpu.memory_space<hbm>> -> memref<1x32768xf32, #tpu.memory_space<hbm>>
    %dma_start3A_32 = tpu.memref_squeeze %dma_start3A_31 : memref<1x32768xf32, #tpu.memory_space<hbm>> -> memref<32768xf32, #tpu.memory_space<hbm>>
    %dma_start3A_33 = arith.constant 0 : i32
    %dma_start3A_34 = tpu.memref_slice %arg4[%dma_start3A_26, %dma_start3A_33] : memref<2x32768xf32, #tpu.memory_space<vmem>> -> memref<1x32768xf32, #tpu.memory_space<vmem>>
    %dma_start3A_35 = tpu.memref_squeeze %dma_start3A_34 : memref<1x32768xf32, #tpu.memory_space<vmem>> -> memref<32768xf32, #tpu.memory_space<vmem>>
    %dma_start3A_36 = arith.constant 0 : i32
    %dma_start3A_37 = tpu.memref_slice %arg2[%add3A_25, %dma_start3A_36] : memref<128x32768xf32, #tpu.memory_space<hbm>> -> memref<1x32768xf32, #tpu.memory_space<hbm>>
    %dma_start3A_38 = tpu.memref_squeeze %dma_start3A_37 : memref<1x32768xf32, #tpu.memory_space<hbm>> -> memref<32768xf32, #tpu.memory_space<hbm>>
    tpu.enqueue_dma source(%dma_start3A_38 : memref<32768xf32, #tpu.memory_space<hbm>>) target(%dma_start3A_35 : memref<32768xf32, #tpu.memory_space<vmem>>) target_semaphore(%arg7 : memref<!tpu.dma_semaphore, #tpu.memory_space<semaphore_mem>>)
    %dma_wait3A = arith.constant 0 : i32
    %dma_wait3A_39 = arith.constant 0 : i32
    %dma_wait3A_40 = tpu.memref_slice %arg4[%dma_wait3A, %dma_wait3A_39] : memref<2x32768xf32, #tpu.memory_space<vmem>> -> memref<1x32768xf32, #tpu.memory_space<vmem>>
    %dma_wait3A_41 = tpu.memref_squeeze %dma_wait3A_40 : memref<1x32768xf32, #tpu.memory_space<vmem>> -> memref<32768xf32, #tpu.memory_space<vmem>>
    %dma_wait3A_42 = arith.constant 0 : i32
    %dma_wait3A_43 = tpu.memref_slice %arg2[%add3A_6, %dma_wait3A_42] : memref<128x32768xf32, #tpu.memory_space<hbm>> -> memref<1x32768xf32, #tpu.memory_space<hbm>>
    %dma_wait3A_44 = tpu.memref_squeeze %dma_wait3A_43 : memref<1x32768xf32, #tpu.memory_space<hbm>> -> memref<32768xf32, #tpu.memory_space<hbm>>
    %dma_wait3A_45 = arith.constant 0 : i32
    %dma_wait3A_46 = tpu.memref_slice %arg4[%dma_wait3A, %dma_wait3A_45] : memref<2x32768xf32, #tpu.memory_space<vmem>> -> memref<1x32768xf32, #tpu.memory_space<vmem>>
    %dma_wait3A_47 = tpu.memref_squeeze %dma_wait3A_46 : memref<1x32768xf32, #tpu.memory_space<vmem>> -> memref<32768xf32, #tpu.memory_space<vmem>>
    %dma_wait3A_48 = arith.constant 0 : i32
    %dma_wait3A_49 = tpu.memref_slice %arg2[%add3A_6, %dma_wait3A_48] : memref<128x32768xf32, #tpu.memory_space<hbm>> -> memref<1x32768xf32, #tpu.memory_space<hbm>>
    %dma_wait3A_50 = tpu.memref_squeeze %dma_wait3A_49 : memref<1x32768xf32, #tpu.memory_space<hbm>> -> memref<32768xf32, #tpu.memory_space<hbm>>
    tpu.wait_dma2 semaphore(%arg6 : memref<!tpu.dma_semaphore, #tpu.memory_space<semaphore_mem>>) src(%dma_wait3A_50 : memref<32768xf32, #tpu.memory_space<hbm>>) dst(%dma_wait3A_47 : memref<32768xf32, #tpu.memory_space<vmem>>)
    %broadcast_in_dim3A_51 = arith.constant 0xFF800000 : f32
    %broadcast_in_dim3A_52 = vector.broadcast %broadcast_in_dim3A_51 : f32 to vector<16xf32>
    %broadcast_in_dim3A_53 = arith.constant 0 : i32
    %broadcast_in_dim3A_54 = vector.broadcast %broadcast_in_dim3A_53 : i32 to vector<16xi32>
    %parallel_loop3A = arith.constant 0 : i32
    %parallel_loop3A_55 = arith.constant 256 : i32
    %parallel_loop3A_56 = arith.constant 1 : i32
    %parallel_loop3A_57:2 = scf.for %parallel_loop3A_983 = %parallel_loop3A to %parallel_loop3A_55 step %parallel_loop3A_56 iter_args(%parallel_loop3A_984 = %broadcast_in_dim3A_52, %parallel_loop3A_985 = %broadcast_in_dim3A_54) -> (vector<16xf32>, vector<16xi32>)  : i32 {
      %parallel_loop3A_986 = arith.constant 128 : i32
      %parallel_loop3A_987 = arith.muli %parallel_loop3A_983, %parallel_loop3A_986 : i32
      %parallel_loop3A_988 = arith.constant 0 : i32
      %parallel_loop3A_989 = arith.addi %parallel_loop3A_987, %parallel_loop3A_988 : i32
      %parallel_loop3A_990 = arith.constant 0 : i32
      %parallel_loop3A_991 = arith.index_cast %parallel_loop3A_990 : i32 to index
      %parallel_loop3A_992 = arith.index_cast %parallel_loop3A_989 : i32 to index
      %parallel_loop3A_993 = tpu.vector_load %arg4[%parallel_loop3A_991, %parallel_loop3A_992] {strides = array<i32>} : memref<2x32768xf32, #tpu.memory_space<vmem>>, vector<1x16xf32>,
      %parallel_loop3A_994 = vector.shape_cast %parallel_loop3A_993 : vector<1x16xf32> to vector<16xf32>
      %parallel_loop3A_995 = arith.constant 16 : i32
      %parallel_loop3A_996 = arith.addi %parallel_loop3A_987, %parallel_loop3A_995 : i32
      %parallel_loop3A_997 = arith.constant 0 : i32
      %parallel_loop3A_998 = arith.index_cast %parallel_loop3A_997 : i32 to index
      %parallel_loop3A_999 = arith.index_cast %parallel_loop3A_996 : i32 to index
      %parallel_loop3A_1000 = tpu.vector_load %arg4[%parallel_loop3A_998, %parallel_loop3A_999] {strides = array<i32>} : memref<2x32768xf32, #tpu.memory_space<vmem>>, vector<1x16xf32>,
      %parallel_loop3A_1001 = vector.shape_cast %parallel_loop3A_1000 : vector<1x16xf32> to vector<16xf32>
      %parallel_loop3A_1002 = arith.constant 32 : i32
      %parallel_loop3A_1003 = arith.addi %parallel_loop3A_987, %parallel_loop3A_1002 : i32
      %parallel_loop3A_1004 = arith.constant 0 : i32
      %parallel_loop3A_1005 = arith.index_cast %parallel_loop3A_1004 : i32 to index
      %parallel_loop3A_1006 = arith.index_cast %parallel_loop3A_1003 : i32 to index
      %parallel_loop3A_1007 = tpu.vector_load %arg4[%parallel_loop3A_1005, %parallel_loop3A_1006] {strides = array<i32>} : memref<2x32768xf32, #tpu.memory_space<vmem>>, vector<1x16xf32>,
      %parallel_loop3A_1008 = vector.shape_cast %parallel_loop3A_1007 : vector<1x16xf32> to vector<16xf32>
      %parallel_loop3A_1009 = arith.constant 48 : i32
      %parallel_loop3A_1010 = arith.addi %parallel_loop3A_987, %parallel_loop3A_1009 : i32
      %parallel_loop3A_1011 = arith.constant 0 : i32
      %parallel_loop3A_1012 = arith.index_cast %parallel_loop3A_1011 : i32 to index
      %parallel_loop3A_1013 = arith.index_cast %parallel_loop3A_1010 : i32 to index
      %parallel_loop3A_1014 = tpu.vector_load %arg4[%parallel_loop3A_1012, %parallel_loop3A_1013] {strides = array<i32>} : memref<2x32768xf32, #tpu.memory_space<vmem>>, vector<1x16xf32>,
      %parallel_loop3A_1015 = vector.shape_cast %parallel_loop3A_1014 : vector<1x16xf32> to vector<16xf32>
      %parallel_loop3A_1016 = arith.constant 64 : i32
      %parallel_loop3A_1017 = arith.addi %parallel_loop3A_987, %parallel_loop3A_1016 : i32
      %parallel_loop3A_1018 = arith.constant 0 : i32
      %parallel_loop3A_1019 = arith.index_cast %parallel_loop3A_1018 : i32 to index
      %parallel_loop3A_1020 = arith.index_cast %parallel_loop3A_1017 : i32 to index
      %parallel_loop3A_1021 = tpu.vector_load %arg4[%parallel_loop3A_1019, %parallel_loop3A_1020] {strides = array<i32>} : memref<2x32768xf32, #tpu.memory_space<vmem>>, vector<1x16xf32>,
      %parallel_loop3A_1022 = vector.shape_cast %parallel_loop3A_1021 : vector<1x16xf32> to vector<16xf32>
      %parallel_loop3A_1023 = arith.constant 80 : i32
      %parallel_loop3A_1024 = arith.addi %parallel_loop3A_987, %parallel_loop3A_1023 : i32
      %parallel_loop3A_1025 = arith.constant 0 : i32
      %parallel_loop3A_1026 = arith.index_cast %parallel_loop3A_1025 : i32 to index
      %parallel_loop3A_1027 = arith.index_cast %parallel_loop3A_1024 : i32 to index
      %parallel_loop3A_1028 = tpu.vector_load %arg4[%parallel_loop3A_1026, %parallel_loop3A_1027] {strides = array<i32>} : memref<2x32768xf32, #tpu.memory_space<vmem>>, vector<1x16xf32>,
      %parallel_loop3A_1029 = vector.shape_cast %parallel_loop3A_1028 : vector<1x16xf32> to vector<16xf32>
      %parallel_loop3A_1030 = arith.constant 96 : i32
      %parallel_loop3A_1031 = arith.addi %parallel_loop3A_987, %parallel_loop3A_1030 : i32
      %parallel_loop3A_1032 = arith.constant 0 : i32
      %parallel_loop3A_1033 = arith.index_cast %parallel_loop3A_1032 : i32 to index
      %parallel_loop3A_1034 = arith.index_cast %parallel_loop3A_1031 : i32 to index
      %parallel_loop3A_1035 = tpu.vector_load %arg4[%parallel_loop3A_1033, %parallel_loop3A_1034] {strides = array<i32>} : memref<2x32768xf32, #tpu.memory_space<vmem>>, vector<1x16xf32>,
      %parallel_loop3A_1036 = vector.shape_cast %parallel_loop3A_1035 : vector<1x16xf32> to vector<16xf32>
      %parallel_loop3A_1037 = arith.constant 112 : i32
      %parallel_loop3A_1038 = arith.addi %parallel_loop3A_987, %parallel_loop3A_1037 : i32
      %parallel_loop3A_1039 = arith.constant 0 : i32
      %parallel_loop3A_1040 = arith.index_cast %parallel_loop3A_1039 : i32 to index
      %parallel_loop3A_1041 = arith.index_cast %parallel_loop3A_1038 : i32 to index
      %parallel_loop3A_1042 = tpu.vector_load %arg4[%parallel_loop3A_1040, %parallel_loop3A_1041] {strides = array<i32>} : memref<2x32768xf32, #tpu.memory_space<vmem>>, vector<1x16xf32>,
      %parallel_loop3A_1043 = vector.shape_cast %parallel_loop3A_1042 : vector<1x16xf32> to vector<16xf32>
      %parallel_loop3A_1044 = arith.maximumf %parallel_loop3A_994, %parallel_loop3A_1001 : vector<16xf32>
      %parallel_loop3A_1045 = arith.maximumf %parallel_loop3A_1008, %parallel_loop3A_1015 : vector<16xf32>
      %parallel_loop3A_1046 = arith.maximumf %parallel_loop3A_1022, %parallel_loop3A_1029 : vector<16xf32>
      %parallel_loop3A_1047 = arith.maximumf %parallel_loop3A_1036, %parallel_loop3A_1043 : vector<16xf32>
      %parallel_loop3A_1048 = arith.maximumf %parallel_loop3A_1044, %parallel_loop3A_1045 : vector<16xf32>
      %parallel_loop3A_1049 = arith.maximumf %parallel_loop3A_1046, %parallel_loop3A_1047 : vector<16xf32>
      %parallel_loop3A_1050 = arith.maximumf %parallel_loop3A_1048, %parallel_loop3A_1049 : vector<16xf32>
      %parallel_loop3A_1051 = arith.cmpf ogt, %parallel_loop3A_1050, %parallel_loop3A_984 : vector<16xf32>
      %parallel_loop3A_1052 = arith.select %parallel_loop3A_1051, %parallel_loop3A_1050, %parallel_loop3A_984 : vector<16xi1>, vector<16xf32>
      %parallel_loop3A_1053 = vector.broadcast %parallel_loop3A_983 : i32 to vector<16xi32>
      %parallel_loop3A_1054 = arith.select %parallel_loop3A_1051, %parallel_loop3A_1053, %parallel_loop3A_985 : vector<16xi1>, vector<16xi32>
      scf.yield %parallel_loop3A_1052, %parallel_loop3A_1054 : vector<16xf32>, vector<16xi32>
    } {sc.loop_unroll_factor = 4 : i64, sc.parallel_access}
    %slice3A = vector.extract_strided_slice %parallel_loop3A_57#0 {offsets = [0], sizes = [1], strides = [1]} : vector<16xf32> to vector<1xf32>
    %squeeze3A = vector.extract %slice3A[0] : f32 from vector<1xf32>
    %slice3A_58 = vector.extract_strided_slice %parallel_loop3A_57#0 {offsets = [1], sizes = [1], strides = [1]} : vector<16xf32> to vector<1xf32>
    %squeeze3A_59 = vector.extract %slice3A_58[0] : f32 from vector<1xf32>
    %slice3A_60 = vector.extract_strided_slice %parallel_loop3A_57#0 {offsets = [2], sizes = [1], strides = [1]} : vector<16xf32> to vector<1xf32>
    %squeeze3A_61 = vector.extract %slice3A_60[0] : f32 from vector<1xf32>
    %slice3A_62 = vector.extract_strided_slice %parallel_loop3A_57#0 {offsets = [3], sizes = [1], strides = [1]} : vector<16xf32> to vector<1xf32>
    %squeeze3A_63 = vector.extract %slice3A_62[0] : f32 from vector<1xf32>
    %slice3A_64 = vector.extract_strided_slice %parallel_loop3A_57#0 {offsets = [4], sizes = [1], strides = [1]} : vector<16xf32> to vector<1xf32>
    %squeeze3A_65 = vector.extract %slice3A_64[0] : f32 from vector<1xf32>
    %slice3A_66 = vector.extract_strided_slice %parallel_loop3A_57#0 {offsets = [5], sizes = [1], strides = [1]} : vector<16xf32> to vector<1xf32>
    %squeeze3A_67 = vector.extract %slice3A_66[0] : f32 from vector<1xf32>
    %slice3A_68 = vector.extract_strided_slice %parallel_loop3A_57#0 {offsets = [6], sizes = [1], strides = [1]} : vector<16xf32> to vector<1xf32>
    %squeeze3A_69 = vector.extract %slice3A_68[0] : f32 from vector<1xf32>
    %slice3A_70 = vector.extract_strided_slice %parallel_loop3A_57#0 {offsets = [7], sizes = [1], strides = [1]} : vector<16xf32> to vector<1xf32>
    %squeeze3A_71 = vector.extract %slice3A_70[0] : f32 from vector<1xf32>
    %slice3A_72 = vector.extract_strided_slice %parallel_loop3A_57#0 {offsets = [8], sizes = [1], strides = [1]} : vector<16xf32> to vector<1xf32>
    %squeeze3A_73 = vector.extract %slice3A_72[0] : f32 from vector<1xf32>
    %slice3A_74 = vector.extract_strided_slice %parallel_loop3A_57#0 {offsets = [9], sizes = [1], strides = [1]} : vector<16xf32> to vector<1xf32>
    %squeeze3A_75 = vector.extract %slice3A_74[0] : f32 from vector<1xf32>
    %slice3A_76 = vector.extract_strided_slice %parallel_loop3A_57#0 {offsets = [10], sizes = [1], strides = [1]} : vector<16xf32> to vector<1xf32>
    %squeeze3A_77 = vector.extract %slice3A_76[0] : f32 from vector<1xf32>
    %slice3A_78 = vector.extract_strided_slice %parallel_loop3A_57#0 {offsets = [11], sizes = [1], strides = [1]} : vector<16xf32> to vector<1xf32>
    %squeeze3A_79 = vector.extract %slice3A_78[0] : f32 from vector<1xf32>
    %slice3A_80 = vector.extract_strided_slice %parallel_loop3A_57#0 {offsets = [12], sizes = [1], strides = [1]} : vector<16xf32> to vector<1xf32>
    %squeeze3A_81 = vector.extract %slice3A_80[0] : f32 from vector<1xf32>
    %slice3A_82 = vector.extract_strided_slice %parallel_loop3A_57#0 {offsets = [13], sizes = [1], strides = [1]} : vector<16xf32> to vector<1xf32>
    %squeeze3A_83 = vector.extract %slice3A_82[0] : f32 from vector<1xf32>
    %slice3A_84 = vector.extract_strided_slice %parallel_loop3A_57#0 {offsets = [14], sizes = [1], strides = [1]} : vector<16xf32> to vector<1xf32>
    %squeeze3A_85 = vector.extract %slice3A_84[0] : f32 from vector<1xf32>
    %slice3A_86 = vector.extract_strided_slice %parallel_loop3A_57#0 {offsets = [15], sizes = [1], strides = [1]} : vector<16xf32> to vector<1xf32>
    %squeeze3A_87 = vector.extract %slice3A_86[0] : f32 from vector<1xf32>
    %slice3A_88 = vector.extract_strided_slice %parallel_loop3A_57#1 {offsets = [0], sizes = [1], strides = [1]} : vector<16xi32> to vector<1xi32>
    %squeeze3A_89 = vector.extract %slice3A_88[0] : i32 from vector<1xi32>
    %slice3A_90 = vector.extract_strided_slice %parallel_loop3A_57#1 {offsets = [1], sizes = [1], strides = [1]} : vector<16xi32> to vector<1xi32>
    %squeeze3A_91 = vector.extract %slice3A_90[0] : i32 from vector<1xi32>
    %slice3A_92 = vector.extract_strided_slice %parallel_loop3A_57#1 {offsets = [2], sizes = [1], strides = [1]} : vector<16xi32> to vector<1xi32>
    %squeeze3A_93 = vector.extract %slice3A_92[0] : i32 from vector<1xi32>
    %slice3A_94 = vector.extract_strided_slice %parallel_loop3A_57#1 {offsets = [3], sizes = [1], strides = [1]} : vector<16xi32> to vector<1xi32>
    %squeeze3A_95 = vector.extract %slice3A_94[0] : i32 from vector<1xi32>
    %slice3A_96 = vector.extract_strided_slice %parallel_loop3A_57#1 {offsets = [4], sizes = [1], strides = [1]} : vector<16xi32> to vector<1xi32>
    %squeeze3A_97 = vector.extract %slice3A_96[0] : i32 from vector<1xi32>
    %slice3A_98 = vector.extract_strided_slice %parallel_loop3A_57#1 {offsets = [5], sizes = [1], strides = [1]} : vector<16xi32> to vector<1xi32>
    %squeeze3A_99 = vector.extract %slice3A_98[0] : i32 from vector<1xi32>
    %slice3A_100 = vector.extract_strided_slice %parallel_loop3A_57#1 {offsets = [6], sizes = [1], strides = [1]} : vector<16xi32> to vector<1xi32>
    %squeeze3A_101 = vector.extract %slice3A_100[0] : i32 from vector<1xi32>
    %slice3A_102 = vector.extract_strided_slice %parallel_loop3A_57#1 {offsets = [7], sizes = [1], strides = [1]} : vector<16xi32> to vector<1xi32>
    %squeeze3A_103 = vector.extract %slice3A_102[0] : i32 from vector<1xi32>
    %slice3A_104 = vector.extract_strided_slice %parallel_loop3A_57#1 {offsets = [8], sizes = [1], strides = [1]} : vector<16xi32> to vector<1xi32>
    %squeeze3A_105 = vector.extract %slice3A_104[0] : i32 from vector<1xi32>
    %slice3A_106 = vector.extract_strided_slice %parallel_loop3A_57#1 {offsets = [9], sizes = [1], strides = [1]} : vector<16xi32> to vector<1xi32>
    %squeeze3A_107 = vector.extract %slice3A_106[0] : i32 from vector<1xi32>
    %slice3A_108 = vector.extract_strided_slice %parallel_loop3A_57#1 {offsets = [10], sizes = [1], strides = [1]} : vector<16xi32> to vector<1xi32>
    %squeeze3A_109 = vector.extract %slice3A_108[0] : i32 from vector<1xi32>
    %slice3A_110 = vector.extract_strided_slice %parallel_loop3A_57#1 {offsets = [11], sizes = [1], strides = [1]} : vector<16xi32> to vector<1xi32>
    %squeeze3A_111 = vector.extract %slice3A_110[0] : i32 from vector<1xi32>
    %slice3A_112 = vector.extract_strided_slice %parallel_loop3A_57#1 {offsets = [12], sizes = [1], strides = [1]} : vector<16xi32> to vector<1xi32>
    %squeeze3A_113 = vector.extract %slice3A_112[0] : i32 from vector<1xi32>
    %slice3A_114 = vector.extract_strided_slice %parallel_loop3A_57#1 {offsets = [13], sizes = [1], strides = [1]} : vector<16xi32> to vector<1xi32>
    %squeeze3A_115 = vector.extract %slice3A_114[0] : i32 from vector<1xi32>
    %slice3A_116 = vector.extract_strided_slice %parallel_loop3A_57#1 {offsets = [14], sizes = [1], strides = [1]} : vector<16xi32> to vector<1xi32>
    %squeeze3A_117 = vector.extract %slice3A_116[0] : i32 from vector<1xi32>
    %slice3A_118 = vector.extract_strided_slice %parallel_loop3A_57#1 {offsets = [15], sizes = [1], strides = [1]} : vector<16xi32> to vector<1xi32>
    %squeeze3A_119 = vector.extract %slice3A_118[0] : i32 from vector<1xi32>
    %gt3A = arith.cmpf ogt, %squeeze3A_59, %squeeze3A : f32
    %eq3A = arith.cmpf oeq, %squeeze3A_59, %squeeze3A : f32
    %lt3A = arith.cmpi slt, %squeeze3A_91, %squeeze3A_89 : i32
    %and3A = arith.andi %eq3A, %lt3A : i1
    %or3A = arith.ori %gt3A, %and3A : i1
    %select_n3A = arith.select %or3A, %squeeze3A_59, %squeeze3A : f32
    %select_n3A_120 = arith.select %or3A, %squeeze3A_91, %squeeze3A_89 : i32
    %gt3A_121 = arith.cmpf ogt, %squeeze3A_63, %squeeze3A_61 : f32
    %eq3A_122 = arith.cmpf oeq, %squeeze3A_63, %squeeze3A_61 : f32
    %lt3A_123 = arith.cmpi slt, %squeeze3A_95, %squeeze3A_93 : i32
    %and3A_124 = arith.andi %eq3A_122, %lt3A_123 : i1
    %or3A_125 = arith.ori %gt3A_121, %and3A_124 : i1
    %select_n3A_126 = arith.select %or3A_125, %squeeze3A_63, %squeeze3A_61 : f32
    %select_n3A_127 = arith.select %or3A_125, %squeeze3A_95, %squeeze3A_93 : i32
    %gt3A_128 = arith.cmpf ogt, %squeeze3A_67, %squeeze3A_65 : f32
    %eq3A_129 = arith.cmpf oeq, %squeeze3A_67, %squeeze3A_65 : f32
    %lt3A_130 = arith.cmpi slt, %squeeze3A_99, %squeeze3A_97 : i32
    %and3A_131 = arith.andi %eq3A_129, %lt3A_130 : i1
    %or3A_132 = arith.ori %gt3A_128, %and3A_131 : i1
    %select_n3A_133 = arith.select %or3A_132, %squeeze3A_67, %squeeze3A_65 : f32
    %select_n3A_134 = arith.select %or3A_132, %squeeze3A_99, %squeeze3A_97 : i32
    %gt3A_135 = arith.cmpf ogt, %squeeze3A_71, %squeeze3A_69 : f32
    %eq3A_136 = arith.cmpf oeq, %squeeze3A_71, %squeeze3A_69 : f32
    %lt3A_137 = arith.cmpi slt, %squeeze3A_103, %squeeze3A_101 : i32
    %and3A_138 = arith.andi %eq3A_136, %lt3A_137 : i1
    %or3A_139 = arith.ori %gt3A_135, %and3A_138 : i1
    %select_n3A_140 = arith.select %or3A_139, %squeeze3A_71, %squeeze3A_69 : f32
    %select_n3A_141 = arith.select %or3A_139, %squeeze3A_103, %squeeze3A_101 : i32
    %gt3A_142 = arith.cmpf ogt, %squeeze3A_75, %squeeze3A_73 : f32
    %eq3A_143 = arith.cmpf oeq, %squeeze3A_75, %squeeze3A_73 : f32
    %lt3A_144 = arith.cmpi slt, %squeeze3A_107, %squeeze3A_105 : i32
    %and3A_145 = arith.andi %eq3A_143, %lt3A_144 : i1
    %or3A_146 = arith.ori %gt3A_142, %and3A_145 : i1
    %select_n3A_147 = arith.select %or3A_146, %squeeze3A_75, %squeeze3A_73 : f32
    %select_n3A_148 = arith.select %or3A_146, %squeeze3A_107, %squeeze3A_105 : i32
    %gt3A_149 = arith.cmpf ogt, %squeeze3A_79, %squeeze3A_77 : f32
    %eq3A_150 = arith.cmpf oeq, %squeeze3A_79, %squeeze3A_77 : f32
    %lt3A_151 = arith.cmpi slt, %squeeze3A_111, %squeeze3A_109 : i32
    %and3A_152 = arith.andi %eq3A_150, %lt3A_151 : i1
    %or3A_153 = arith.ori %gt3A_149, %and3A_152 : i1
    %select_n3A_154 = arith.select %or3A_153, %squeeze3A_79, %squeeze3A_77 : f32
    %select_n3A_155 = arith.select %or3A_153, %squeeze3A_111, %squeeze3A_109 : i32
    %gt3A_156 = arith.cmpf ogt, %squeeze3A_83, %squeeze3A_81 : f32
    %eq3A_157 = arith.cmpf oeq, %squeeze3A_83, %squeeze3A_81 : f32
    %lt3A_158 = arith.cmpi slt, %squeeze3A_115, %squeeze3A_113 : i32
    %and3A_159 = arith.andi %eq3A_157, %lt3A_158 : i1
    %or3A_160 = arith.ori %gt3A_156, %and3A_159 : i1
    %select_n3A_161 = arith.select %or3A_160, %squeeze3A_83, %squeeze3A_81 : f32
    %select_n3A_162 = arith.select %or3A_160, %squeeze3A_115, %squeeze3A_113 : i32
    %gt3A_163 = arith.cmpf ogt, %squeeze3A_87, %squeeze3A_85 : f32
    %eq3A_164 = arith.cmpf oeq, %squeeze3A_87, %squeeze3A_85 : f32
    %lt3A_165 = arith.cmpi slt, %squeeze3A_119, %squeeze3A_117 : i32
    %and3A_166 = arith.andi %eq3A_164, %lt3A_165 : i1
    %or3A_167 = arith.ori %gt3A_163, %and3A_166 : i1
    %select_n3A_168 = arith.select %or3A_167, %squeeze3A_87, %squeeze3A_85 : f32
    %select_n3A_169 = arith.select %or3A_167, %squeeze3A_119, %squeeze3A_117 : i32
    %gt3A_170 = arith.cmpf ogt, %select_n3A_126, %select_n3A : f32
    %eq3A_171 = arith.cmpf oeq, %select_n3A_126, %select_n3A : f32
    %lt3A_172 = arith.cmpi slt, %select_n3A_127, %select_n3A_120 : i32
    %and3A_173 = arith.andi %eq3A_171, %lt3A_172 : i1
    %or3A_174 = arith.ori %gt3A_170, %and3A_173 : i1
    %select_n3A_175 = arith.select %or3A_174, %select_n3A_126, %select_n3A : f32
    %select_n3A_176 = arith.select %or3A_174, %select_n3A_127, %select_n3A_120 : i32
    %gt3A_177 = arith.cmpf ogt, %select_n3A_140, %select_n3A_133 : f32
    %eq3A_178 = arith.cmpf oeq, %select_n3A_140, %select_n3A_133 : f32
    %lt3A_179 = arith.cmpi slt, %select_n3A_141, %select_n3A_134 : i32
    %and3A_180 = arith.andi %eq3A_178, %lt3A_179 : i1
    %or3A_181 = arith.ori %gt3A_177, %and3A_180 : i1
    %select_n3A_182 = arith.select %or3A_181, %select_n3A_140, %select_n3A_133 : f32
    %select_n3A_183 = arith.select %or3A_181, %select_n3A_141, %select_n3A_134 : i32
    %gt3A_184 = arith.cmpf ogt, %select_n3A_154, %select_n3A_147 : f32
    %eq3A_185 = arith.cmpf oeq, %select_n3A_154, %select_n3A_147 : f32
    %lt3A_186 = arith.cmpi slt, %select_n3A_155, %select_n3A_148 : i32
    %and3A_187 = arith.andi %eq3A_185, %lt3A_186 : i1
    %or3A_188 = arith.ori %gt3A_184, %and3A_187 : i1
    %select_n3A_189 = arith.select %or3A_188, %select_n3A_154, %select_n3A_147 : f32
    %select_n3A_190 = arith.select %or3A_188, %select_n3A_155, %select_n3A_148 : i32
    %gt3A_191 = arith.cmpf ogt, %select_n3A_168, %select_n3A_161 : f32
    %eq3A_192 = arith.cmpf oeq, %select_n3A_168, %select_n3A_161 : f32
    %lt3A_193 = arith.cmpi slt, %select_n3A_169, %select_n3A_162 : i32
    %and3A_194 = arith.andi %eq3A_192, %lt3A_193 : i1
    %or3A_195 = arith.ori %gt3A_191, %and3A_194 : i1
    %select_n3A_196 = arith.select %or3A_195, %select_n3A_168, %select_n3A_161 : f32
    %select_n3A_197 = arith.select %or3A_195, %select_n3A_169, %select_n3A_162 : i32
    %gt3A_198 = arith.cmpf ogt, %select_n3A_182, %select_n3A_175 : f32
    %eq3A_199 = arith.cmpf oeq, %select_n3A_182, %select_n3A_175 : f32
    %lt3A_200 = arith.cmpi slt, %select_n3A_183, %select_n3A_176 : i32
    %and3A_201 = arith.andi %eq3A_199, %lt3A_200 : i1
    %or3A_202 = arith.ori %gt3A_198, %and3A_201 : i1
    %select_n3A_203 = arith.select %or3A_202, %select_n3A_182, %select_n3A_175 : f32
    %select_n3A_204 = arith.select %or3A_202, %select_n3A_183, %select_n3A_176 : i32
    %gt3A_205 = arith.cmpf ogt, %select_n3A_196, %select_n3A_189 : f32
    %eq3A_206 = arith.cmpf oeq, %select_n3A_196, %select_n3A_189 : f32
    %lt3A_207 = arith.cmpi slt, %select_n3A_197, %select_n3A_190 : i32
    %and3A_208 = arith.andi %eq3A_206, %lt3A_207 : i1
    %or3A_209 = arith.ori %gt3A_205, %and3A_208 : i1
    %select_n3A_210 = arith.select %or3A_209, %select_n3A_196, %select_n3A_189 : f32
    %select_n3A_211 = arith.select %or3A_209, %select_n3A_197, %select_n3A_190 : i32
    %gt3A_212 = arith.cmpf ogt, %select_n3A_210, %select_n3A_203 : f32
    %eq3A_213 = arith.cmpf oeq, %select_n3A_210, %select_n3A_203 : f32
    %lt3A_214 = arith.cmpi slt, %select_n3A_211, %select_n3A_204 : i32
    %and3A_215 = arith.andi %eq3A_213, %lt3A_214 : i1
    %or3A_216 = arith.ori %gt3A_212, %and3A_215 : i1
    %select_n3A_217 = arith.select %or3A_216, %select_n3A_210, %select_n3A_203 : f32
    %select_n3A_218 = arith.select %or3A_216, %select_n3A_211, %select_n3A_204 : i32
    %mul3A_219 = arith.constant 128 : i32
    %mul3A_220 = arith.muli %select_n3A_218, %mul3A_219 : i32
    %add3A_221 = vector.broadcast %mul3A_220 : i32 to vector<16xi32>
    %add3A_222 = arith.addi %add3A_221, %iota3A : vector<16xi32>
    %broadcast_in_dim3A_223 = arith.constant 0xFF800000 : f32
    %broadcast_in_dim3A_224 = vector.broadcast %broadcast_in_dim3A_223 : f32 to vector<16xf32>
    %broadcast_in_dim3A_225 = arith.constant 0 : i32
    %broadcast_in_dim3A_226 = vector.broadcast %broadcast_in_dim3A_225 : i32 to vector<16xi32>
    %add3A_227 = arith.constant 0 : i32
    %add3A_228 = arith.addi %mul3A_220, %add3A_227 : i32
    %get3A = arith.constant 0 : i32
    %get3A_229 = arith.index_cast %get3A : i32 to index
    %get3A_230 = arith.index_cast %add3A_228 : i32 to index
    %get3A_231 = tpu.vector_load %arg4[%get3A_229, %get3A_230] {strides = array<i32>} : memref<2x32768xf32, #tpu.memory_space<vmem>>, vector<1x16xf32>,
    %get3A_232 = vector.shape_cast %get3A_231 : vector<1x16xf32> to vector<16xf32>
    %gt3A_233 = arith.cmpf ogt, %get3A_232, %broadcast_in_dim3A_224 : vector<16xf32>
    %select_n3A_234 = arith.select %gt3A_233, %get3A_232, %broadcast_in_dim3A_224 : vector<16xi1>, vector<16xf32>
    %add3A_235 = arith.constant 0 : i32
    %add3A_236 = vector.broadcast %add3A_235 : i32 to vector<16xi32>
    %add3A_237 = arith.addi %add3A_222, %add3A_236 : vector<16xi32>
    %select_n3A_238 = arith.select %gt3A_233, %add3A_237, %broadcast_in_dim3A_226 : vector<16xi1>, vector<16xi32>
    %add3A_239 = arith.constant 16 : i32
    %add3A_240 = arith.addi %mul3A_220, %add3A_239 : i32
    %get3A_241 = arith.constant 0 : i32
    %get3A_242 = arith.index_cast %get3A_241 : i32 to index
    %get3A_243 = arith.index_cast %add3A_240 : i32 to index
    %get3A_244 = tpu.vector_load %arg4[%get3A_242, %get3A_243] {strides = array<i32>} : memref<2x32768xf32, #tpu.memory_space<vmem>>, vector<1x16xf32>,
    %get3A_245 = vector.shape_cast %get3A_244 : vector<1x16xf32> to vector<16xf32>
    %gt3A_246 = arith.cmpf ogt, %get3A_245, %select_n3A_234 : vector<16xf32>
    %select_n3A_247 = arith.select %gt3A_246, %get3A_245, %select_n3A_234 : vector<16xi1>, vector<16xf32>
    %add3A_248 = arith.constant 16 : i32
    %add3A_249 = vector.broadcast %add3A_248 : i32 to vector<16xi32>
    %add3A_250 = arith.addi %add3A_222, %add3A_249 : vector<16xi32>
    %select_n3A_251 = arith.select %gt3A_246, %add3A_250, %select_n3A_238 : vector<16xi1>, vector<16xi32>
    %add3A_252 = arith.constant 32 : i32
    %add3A_253 = arith.addi %mul3A_220, %add3A_252 : i32
    %get3A_254 = arith.constant 0 : i32
    %get3A_255 = arith.index_cast %get3A_254 : i32 to index
    %get3A_256 = arith.index_cast %add3A_253 : i32 to index
    %get3A_257 = tpu.vector_load %arg4[%get3A_255, %get3A_256] {strides = array<i32>} : memref<2x32768xf32, #tpu.memory_space<vmem>>, vector<1x16xf32>,
    %get3A_258 = vector.shape_cast %get3A_257 : vector<1x16xf32> to vector<16xf32>
    %gt3A_259 = arith.cmpf ogt, %get3A_258, %select_n3A_247 : vector<16xf32>
    %select_n3A_260 = arith.select %gt3A_259, %get3A_258, %select_n3A_247 : vector<16xi1>, vector<16xf32>
    %add3A_261 = arith.constant 32 : i32
    %add3A_262 = vector.broadcast %add3A_261 : i32 to vector<16xi32>
    %add3A_263 = arith.addi %add3A_222, %add3A_262 : vector<16xi32>
    %select_n3A_264 = arith.select %gt3A_259, %add3A_263, %select_n3A_251 : vector<16xi1>, vector<16xi32>
    %add3A_265 = arith.constant 48 : i32
    %add3A_266 = arith.addi %mul3A_220, %add3A_265 : i32
    %get3A_267 = arith.constant 0 : i32
    %get3A_268 = arith.index_cast %get3A_267 : i32 to index
    %get3A_269 = arith.index_cast %add3A_266 : i32 to index
    %get3A_270 = tpu.vector_load %arg4[%get3A_268, %get3A_269] {strides = array<i32>} : memref<2x32768xf32, #tpu.memory_space<vmem>>, vector<1x16xf32>,
    %get3A_271 = vector.shape_cast %get3A_270 : vector<1x16xf32> to vector<16xf32>
    %gt3A_272 = arith.cmpf ogt, %get3A_271, %select_n3A_260 : vector<16xf32>
    %select_n3A_273 = arith.select %gt3A_272, %get3A_271, %select_n3A_260 : vector<16xi1>, vector<16xf32>
    %add3A_274 = arith.constant 48 : i32
    %add3A_275 = vector.broadcast %add3A_274 : i32 to vector<16xi32>
    %add3A_276 = arith.addi %add3A_222, %add3A_275 : vector<16xi32>
    %select_n3A_277 = arith.select %gt3A_272, %add3A_276, %select_n3A_264 : vector<16xi1>, vector<16xi32>
    %add3A_278 = arith.constant 64 : i32
    %add3A_279 = arith.addi %mul3A_220, %add3A_278 : i32
    %get3A_280 = arith.constant 0 : i32
    %get3A_281 = arith.index_cast %get3A_280 : i32 to index
    %get3A_282 = arith.index_cast %add3A_279 : i32 to index
    %get3A_283 = tpu.vector_load %arg4[%get3A_281, %get3A_282] {strides = array<i32>} : memref<2x32768xf32, #tpu.memory_space<vmem>>, vector<1x16xf32>,
    %get3A_284 = vector.shape_cast %get3A_283 : vector<1x16xf32> to vector<16xf32>
    %gt3A_285 = arith.cmpf ogt, %get3A_284, %select_n3A_273 : vector<16xf32>
    %select_n3A_286 = arith.select %gt3A_285, %get3A_284, %select_n3A_273 : vector<16xi1>, vector<16xf32>
    %add3A_287 = arith.constant 64 : i32
    %add3A_288 = vector.broadcast %add3A_287 : i32 to vector<16xi32>
    %add3A_289 = arith.addi %add3A_222, %add3A_288 : vector<16xi32>
    %select_n3A_290 = arith.select %gt3A_285, %add3A_289, %select_n3A_277 : vector<16xi1>, vector<16xi32>
    %add3A_291 = arith.constant 80 : i32
    %add3A_292 = arith.addi %mul3A_220, %add3A_291 : i32
    %get3A_293 = arith.constant 0 : i32
    %get3A_294 = arith.index_cast %get3A_293 : i32 to index
    %get3A_295 = arith.index_cast %add3A_292 : i32 to index
    %get3A_296 = tpu.vector_load %arg4[%get3A_294, %get3A_295] {strides = array<i32>} : memref<2x32768xf32, #tpu.memory_space<vmem>>, vector<1x16xf32>,
    %get3A_297 = vector.shape_cast %get3A_296 : vector<1x16xf32> to vector<16xf32>
    %gt3A_298 = arith.cmpf ogt, %get3A_297, %select_n3A_286 : vector<16xf32>
    %select_n3A_299 = arith.select %gt3A_298, %get3A_297, %select_n3A_286 : vector<16xi1>, vector<16xf32>
    %add3A_300 = arith.constant 80 : i32
    %add3A_301 = vector.broadcast %add3A_300 : i32 to vector<16xi32>
    %add3A_302 = arith.addi %add3A_222, %add3A_301 : vector<16xi32>
    %select_n3A_303 = arith.select %gt3A_298, %add3A_302, %select_n3A_290 : vector<16xi1>, vector<16xi32>
    %add3A_304 = arith.constant 96 : i32
    %add3A_305 = arith.addi %mul3A_220, %add3A_304 : i32
    %get3A_306 = arith.constant 0 : i32
    %get3A_307 = arith.index_cast %get3A_306 : i32 to index
    %get3A_308 = arith.index_cast %add3A_305 : i32 to index
    %get3A_309 = tpu.vector_load %arg4[%get3A_307, %get3A_308] {strides = array<i32>} : memref<2x32768xf32, #tpu.memory_space<vmem>>, vector<1x16xf32>,
    %get3A_310 = vector.shape_cast %get3A_309 : vector<1x16xf32> to vector<16xf32>
    %gt3A_311 = arith.cmpf ogt, %get3A_310, %select_n3A_299 : vector<16xf32>
    %select_n3A_312 = arith.select %gt3A_311, %get3A_310, %select_n3A_299 : vector<16xi1>, vector<16xf32>
    %add3A_313 = arith.constant 96 : i32
    %add3A_314 = vector.broadcast %add3A_313 : i32 to vector<16xi32>
    %add3A_315 = arith.addi %add3A_222, %add3A_314 : vector<16xi32>
    %select_n3A_316 = arith.select %gt3A_311, %add3A_315, %select_n3A_303 : vector<16xi1>, vector<16xi32>
    %add3A_317 = arith.constant 112 : i32
    %add3A_318 = arith.addi %mul3A_220, %add3A_317 : i32
    %get3A_319 = arith.constant 0 : i32
    %get3A_320 = arith.index_cast %get3A_319 : i32 to index
    %get3A_321 = arith.index_cast %add3A_318 : i32 to index
    %get3A_322 = tpu.vector_load %arg4[%get3A_320, %get3A_321] {strides = array<i32>} : memref<2x32768xf32, #tpu.memory_space<vmem>>, vector<1x16xf32>,
    %get3A_323 = vector.shape_cast %get3A_322 : vector<1x16xf32> to vector<16xf32>
    %gt3A_324 = arith.cmpf ogt, %get3A_323, %select_n3A_312 : vector<16xf32>
    %select_n3A_325 = arith.select %gt3A_324, %get3A_323, %select_n3A_312 : vector<16xi1>, vector<16xf32>
    %add3A_326 = arith.constant 112 : i32
    %add3A_327 = vector.broadcast %add3A_326 : i32 to vector<16xi32>
    %add3A_328 = arith.addi %add3A_222, %add3A_327 : vector<16xi32>
    %select_n3A_329 = arith.select %gt3A_324, %add3A_328, %select_n3A_316 : vector<16xi1>, vector<16xi32>
    %slice3A_330 = vector.extract_strided_slice %select_n3A_325 {offsets = [0], sizes = [1], strides = [1]} : vector<16xf32> to vector<1xf32>
    %squeeze3A_331 = vector.extract %slice3A_330[0] : f32 from vector<1xf32>
    %slice3A_332 = vector.extract_strided_slice %select_n3A_325 {offsets = [1], sizes = [1], strides = [1]} : vector<16xf32> to vector<1xf32>
    %squeeze3A_333 = vector.extract %slice3A_332[0] : f32 from vector<1xf32>
    %slice3A_334 = vector.extract_strided_slice %select_n3A_325 {offsets = [2], sizes = [1], strides = [1]} : vector<16xf32> to vector<1xf32>
    %squeeze3A_335 = vector.extract %slice3A_334[0] : f32 from vector<1xf32>
    %slice3A_336 = vector.extract_strided_slice %select_n3A_325 {offsets = [3], sizes = [1], strides = [1]} : vector<16xf32> to vector<1xf32>
    %squeeze3A_337 = vector.extract %slice3A_336[0] : f32 from vector<1xf32>
    %slice3A_338 = vector.extract_strided_slice %select_n3A_325 {offsets = [4], sizes = [1], strides = [1]} : vector<16xf32> to vector<1xf32>
    %squeeze3A_339 = vector.extract %slice3A_338[0] : f32 from vector<1xf32>
    %slice3A_340 = vector.extract_strided_slice %select_n3A_325 {offsets = [5], sizes = [1], strides = [1]} : vector<16xf32> to vector<1xf32>
    %squeeze3A_341 = vector.extract %slice3A_340[0] : f32 from vector<1xf32>
    %slice3A_342 = vector.extract_strided_slice %select_n3A_325 {offsets = [6], sizes = [1], strides = [1]} : vector<16xf32> to vector<1xf32>
    %squeeze3A_343 = vector.extract %slice3A_342[0] : f32 from vector<1xf32>
    %slice3A_344 = vector.extract_strided_slice %select_n3A_325 {offsets = [7], sizes = [1], strides = [1]} : vector<16xf32> to vector<1xf32>
    %squeeze3A_345 = vector.extract %slice3A_344[0] : f32 from vector<1xf32>
    %slice3A_346 = vector.extract_strided_slice %select_n3A_325 {offsets = [8], sizes = [1], strides = [1]} : vector<16xf32> to vector<1xf32>
    %squeeze3A_347 = vector.extract %slice3A_346[0] : f32 from vector<1xf32>
    %slice3A_348 = vector.extract_strided_slice %select_n3A_325 {offsets = [9], sizes = [1], strides = [1]} : vector<16xf32> to vector<1xf32>
    %squeeze3A_349 = vector.extract %slice3A_348[0] : f32 from vector<1xf32>
    %slice3A_350 = vector.extract_strided_slice %select_n3A_325 {offsets = [10], sizes = [1], strides = [1]} : vector<16xf32> to vector<1xf32>
    %squeeze3A_351 = vector.extract %slice3A_350[0] : f32 from vector<1xf32>
    %slice3A_352 = vector.extract_strided_slice %select_n3A_325 {offsets = [11], sizes = [1], strides = [1]} : vector<16xf32> to vector<1xf32>
    %squeeze3A_353 = vector.extract %slice3A_352[0] : f32 from vector<1xf32>
    %slice3A_354 = vector.extract_strided_slice %select_n3A_325 {offsets = [12], sizes = [1], strides = [1]} : vector<16xf32> to vector<1xf32>
    %squeeze3A_355 = vector.extract %slice3A_354[0] : f32 from vector<1xf32>
    %slice3A_356 = vector.extract_strided_slice %select_n3A_325 {offsets = [13], sizes = [1], strides = [1]} : vector<16xf32> to vector<1xf32>
    %squeeze3A_357 = vector.extract %slice3A_356[0] : f32 from vector<1xf32>
    %slice3A_358 = vector.extract_strided_slice %select_n3A_325 {offsets = [14], sizes = [1], strides = [1]} : vector<16xf32> to vector<1xf32>
    %squeeze3A_359 = vector.extract %slice3A_358[0] : f32 from vector<1xf32>
    %slice3A_360 = vector.extract_strided_slice %select_n3A_325 {offsets = [15], sizes = [1], strides = [1]} : vector<16xf32> to vector<1xf32>
    %squeeze3A_361 = vector.extract %slice3A_360[0] : f32 from vector<1xf32>
    %slice3A_362 = vector.extract_strided_slice %select_n3A_329 {offsets = [0], sizes = [1], strides = [1]} : vector<16xi32> to vector<1xi32>
    %squeeze3A_363 = vector.extract %slice3A_362[0] : i32 from vector<1xi32>
    %slice3A_364 = vector.extract_strided_slice %select_n3A_329 {offsets = [1], sizes = [1], strides = [1]} : vector<16xi32> to vector<1xi32>
    %squeeze3A_365 = vector.extract %slice3A_364[0] : i32 from vector<1xi32>
    %slice3A_366 = vector.extract_strided_slice %select_n3A_329 {offsets = [2], sizes = [1], strides = [1]} : vector<16xi32> to vector<1xi32>
    %squeeze3A_367 = vector.extract %slice3A_366[0] : i32 from vector<1xi32>
    %slice3A_368 = vector.extract_strided_slice %select_n3A_329 {offsets = [3], sizes = [1], strides = [1]} : vector<16xi32> to vector<1xi32>
    %squeeze3A_369 = vector.extract %slice3A_368[0] : i32 from vector<1xi32>
    %slice3A_370 = vector.extract_strided_slice %select_n3A_329 {offsets = [4], sizes = [1], strides = [1]} : vector<16xi32> to vector<1xi32>
    %squeeze3A_371 = vector.extract %slice3A_370[0] : i32 from vector<1xi32>
    %slice3A_372 = vector.extract_strided_slice %select_n3A_329 {offsets = [5], sizes = [1], strides = [1]} : vector<16xi32> to vector<1xi32>
    %squeeze3A_373 = vector.extract %slice3A_372[0] : i32 from vector<1xi32>
    %slice3A_374 = vector.extract_strided_slice %select_n3A_329 {offsets = [6], sizes = [1], strides = [1]} : vector<16xi32> to vector<1xi32>
    %squeeze3A_375 = vector.extract %slice3A_374[0] : i32 from vector<1xi32>
    %slice3A_376 = vector.extract_strided_slice %select_n3A_329 {offsets = [7], sizes = [1], strides = [1]} : vector<16xi32> to vector<1xi32>
    %squeeze3A_377 = vector.extract %slice3A_376[0] : i32 from vector<1xi32>
    %slice3A_378 = vector.extract_strided_slice %select_n3A_329 {offsets = [8], sizes = [1], strides = [1]} : vector<16xi32> to vector<1xi32>
    %squeeze3A_379 = vector.extract %slice3A_378[0] : i32 from vector<1xi32>
    %slice3A_380 = vector.extract_strided_slice %select_n3A_329 {offsets = [9], sizes = [1], strides = [1]} : vector<16xi32> to vector<1xi32>
    %squeeze3A_381 = vector.extract %slice3A_380[0] : i32 from vector<1xi32>
    %slice3A_382 = vector.extract_strided_slice %select_n3A_329 {offsets = [10], sizes = [1], strides = [1]} : vector<16xi32> to vector<1xi32>
    %squeeze3A_383 = vector.extract %slice3A_382[0] : i32 from vector<1xi32>
    %slice3A_384 = vector.extract_strided_slice %select_n3A_329 {offsets = [11], sizes = [1], strides = [1]} : vector<16xi32> to vector<1xi32>
    %squeeze3A_385 = vector.extract %slice3A_384[0] : i32 from vector<1xi32>
    %slice3A_386 = vector.extract_strided_slice %select_n3A_329 {offsets = [12], sizes = [1], strides = [1]} : vector<16xi32> to vector<1xi32>
    %squeeze3A_387 = vector.extract %slice3A_386[0] : i32 from vector<1xi32>
    %slice3A_388 = vector.extract_strided_slice %select_n3A_329 {offsets = [13], sizes = [1], strides = [1]} : vector<16xi32> to vector<1xi32>
    %squeeze3A_389 = vector.extract %slice3A_388[0] : i32 from vector<1xi32>
    %slice3A_390 = vector.extract_strided_slice %select_n3A_329 {offsets = [14], sizes = [1], strides = [1]} : vector<16xi32> to vector<1xi32>
    %squeeze3A_391 = vector.extract %slice3A_390[0] : i32 from vector<1xi32>
    %slice3A_392 = vector.extract_strided_slice %select_n3A_329 {offsets = [15], sizes = [1], strides = [1]} : vector<16xi32> to vector<1xi32>
    %squeeze3A_393 = vector.extract %slice3A_392[0] : i32 from vector<1xi32>
    %gt3A_394 = arith.cmpf ogt, %squeeze3A_333, %squeeze3A_331 : f32
    %eq3A_395 = arith.cmpf oeq, %squeeze3A_333, %squeeze3A_331 : f32
    %lt3A_396 = arith.cmpi slt, %squeeze3A_365, %squeeze3A_363 : i32
    %and3A_397 = arith.andi %eq3A_395, %lt3A_396 : i1
    %or3A_398 = arith.ori %gt3A_394, %and3A_397 : i1
    %select_n3A_399 = arith.select %or3A_398, %squeeze3A_333, %squeeze3A_331 : f32
    %select_n3A_400 = arith.select %or3A_398, %squeeze3A_365, %squeeze3A_363 : i32
    %gt3A_401 = arith.cmpf ogt, %squeeze3A_337, %squeeze3A_335 : f32
    %eq3A_402 = arith.cmpf oeq, %squeeze3A_337, %squeeze3A_335 : f32
    %lt3A_403 = arith.cmpi slt, %squeeze3A_369, %squeeze3A_367 : i32
    %and3A_404 = arith.andi %eq3A_402, %lt3A_403 : i1
    %or3A_405 = arith.ori %gt3A_401, %and3A_404 : i1
    %select_n3A_406 = arith.select %or3A_405, %squeeze3A_337, %squeeze3A_335 : f32
    %select_n3A_407 = arith.select %or3A_405, %squeeze3A_369, %squeeze3A_367 : i32
    %gt3A_408 = arith.cmpf ogt, %squeeze3A_341, %squeeze3A_339 : f32
    %eq3A_409 = arith.cmpf oeq, %squeeze3A_341, %squeeze3A_339 : f32
    %lt3A_410 = arith.cmpi slt, %squeeze3A_373, %squeeze3A_371 : i32
    %and3A_411 = arith.andi %eq3A_409, %lt3A_410 : i1
    %or3A_412 = arith.ori %gt3A_408, %and3A_411 : i1
    %select_n3A_413 = arith.select %or3A_412, %squeeze3A_341, %squeeze3A_339 : f32
    %select_n3A_414 = arith.select %or3A_412, %squeeze3A_373, %squeeze3A_371 : i32
    %gt3A_415 = arith.cmpf ogt, %squeeze3A_345, %squeeze3A_343 : f32
    %eq3A_416 = arith.cmpf oeq, %squeeze3A_345, %squeeze3A_343 : f32
    %lt3A_417 = arith.cmpi slt, %squeeze3A_377, %squeeze3A_375 : i32
    %and3A_418 = arith.andi %eq3A_416, %lt3A_417 : i1
    %or3A_419 = arith.ori %gt3A_415, %and3A_418 : i1
    %select_n3A_420 = arith.select %or3A_419, %squeeze3A_345, %squeeze3A_343 : f32
    %select_n3A_421 = arith.select %or3A_419, %squeeze3A_377, %squeeze3A_375 : i32
    %gt3A_422 = arith.cmpf ogt, %squeeze3A_349, %squeeze3A_347 : f32
    %eq3A_423 = arith.cmpf oeq, %squeeze3A_349, %squeeze3A_347 : f32
    %lt3A_424 = arith.cmpi slt, %squeeze3A_381, %squeeze3A_379 : i32
    %and3A_425 = arith.andi %eq3A_423, %lt3A_424 : i1
    %or3A_426 = arith.ori %gt3A_422, %and3A_425 : i1
    %select_n3A_427 = arith.select %or3A_426, %squeeze3A_349, %squeeze3A_347 : f32
    %select_n3A_428 = arith.select %or3A_426, %squeeze3A_381, %squeeze3A_379 : i32
    %gt3A_429 = arith.cmpf ogt, %squeeze3A_353, %squeeze3A_351 : f32
    %eq3A_430 = arith.cmpf oeq, %squeeze3A_353, %squeeze3A_351 : f32
    %lt3A_431 = arith.cmpi slt, %squeeze3A_385, %squeeze3A_383 : i32
    %and3A_432 = arith.andi %eq3A_430, %lt3A_431 : i1
    %or3A_433 = arith.ori %gt3A_429, %and3A_432 : i1
    %select_n3A_434 = arith.select %or3A_433, %squeeze3A_353, %squeeze3A_351 : f32
    %select_n3A_435 = arith.select %or3A_433, %squeeze3A_385, %squeeze3A_383 : i32
    %gt3A_436 = arith.cmpf ogt, %squeeze3A_357, %squeeze3A_355 : f32
    %eq3A_437 = arith.cmpf oeq, %squeeze3A_357, %squeeze3A_355 : f32
    %lt3A_438 = arith.cmpi slt, %squeeze3A_389, %squeeze3A_387 : i32
    %and3A_439 = arith.andi %eq3A_437, %lt3A_438 : i1
    %or3A_440 = arith.ori %gt3A_436, %and3A_439 : i1
    %select_n3A_441 = arith.select %or3A_440, %squeeze3A_357, %squeeze3A_355 : f32
    %select_n3A_442 = arith.select %or3A_440, %squeeze3A_389, %squeeze3A_387 : i32
    %gt3A_443 = arith.cmpf ogt, %squeeze3A_361, %squeeze3A_359 : f32
    %eq3A_444 = arith.cmpf oeq, %squeeze3A_361, %squeeze3A_359 : f32
    %lt3A_445 = arith.cmpi slt, %squeeze3A_393, %squeeze3A_391 : i32
    %and3A_446 = arith.andi %eq3A_444, %lt3A_445 : i1
    %or3A_447 = arith.ori %gt3A_443, %and3A_446 : i1
    %select_n3A_448 = arith.select %or3A_447, %squeeze3A_361, %squeeze3A_359 : f32
    %select_n3A_449 = arith.select %or3A_447, %squeeze3A_393, %squeeze3A_391 : i32
    %gt3A_450 = arith.cmpf ogt, %select_n3A_406, %select_n3A_399 : f32
    %eq3A_451 = arith.cmpf oeq, %select_n3A_406, %select_n3A_399 : f32
    %lt3A_452 = arith.cmpi slt, %select_n3A_407, %select_n3A_400 : i32
    %and3A_453 = arith.andi %eq3A_451, %lt3A_452 : i1
    %or3A_454 = arith.ori %gt3A_450, %and3A_453 : i1
    %select_n3A_455 = arith.select %or3A_454, %select_n3A_406, %select_n3A_399 : f32
    %select_n3A_456 = arith.select %or3A_454, %select_n3A_407, %select_n3A_400 : i32
    %gt3A_457 = arith.cmpf ogt, %select_n3A_420, %select_n3A_413 : f32
    %eq3A_458 = arith.cmpf oeq, %select_n3A_420, %select_n3A_413 : f32
    %lt3A_459 = arith.cmpi slt, %select_n3A_421, %select_n3A_414 : i32
    %and3A_460 = arith.andi %eq3A_458, %lt3A_459 : i1
    %or3A_461 = arith.ori %gt3A_457, %and3A_460 : i1
    %select_n3A_462 = arith.select %or3A_461, %select_n3A_420, %select_n3A_413 : f32
    %select_n3A_463 = arith.select %or3A_461, %select_n3A_421, %select_n3A_414 : i32
    %gt3A_464 = arith.cmpf ogt, %select_n3A_434, %select_n3A_427 : f32
    %eq3A_465 = arith.cmpf oeq, %select_n3A_434, %select_n3A_427 : f32
    %lt3A_466 = arith.cmpi slt, %select_n3A_435, %select_n3A_428 : i32
    %and3A_467 = arith.andi %eq3A_465, %lt3A_466 : i1
    %or3A_468 = arith.ori %gt3A_464, %and3A_467 : i1
    %select_n3A_469 = arith.select %or3A_468, %select_n3A_434, %select_n3A_427 : f32
    %select_n3A_470 = arith.select %or3A_468, %select_n3A_435, %select_n3A_428 : i32
    %gt3A_471 = arith.cmpf ogt, %select_n3A_448, %select_n3A_441 : f32
    %eq3A_472 = arith.cmpf oeq, %select_n3A_448, %select_n3A_441 : f32
    %lt3A_473 = arith.cmpi slt, %select_n3A_449, %select_n3A_442 : i32
    %and3A_474 = arith.andi %eq3A_472, %lt3A_473 : i1
    %or3A_475 = arith.ori %gt3A_471, %and3A_474 : i1
    %select_n3A_476 = arith.select %or3A_475, %select_n3A_448, %select_n3A_441 : f32
    %select_n3A_477 = arith.select %or3A_475, %select_n3A_449, %select_n3A_442 : i32
    %gt3A_478 = arith.cmpf ogt, %select_n3A_462, %select_n3A_455 : f32
    %eq3A_479 = arith.cmpf oeq, %select_n3A_462, %select_n3A_455 : f32
    %lt3A_480 = arith.cmpi slt, %select_n3A_463, %select_n3A_456 : i32
    %and3A_481 = arith.andi %eq3A_479, %lt3A_480 : i1
    %or3A_482 = arith.ori %gt3A_478, %and3A_481 : i1
    %select_n3A_483 = arith.select %or3A_482, %select_n3A_462, %select_n3A_455 : f32
    %select_n3A_484 = arith.select %or3A_482, %select_n3A_463, %select_n3A_456 : i32
    %gt3A_485 = arith.cmpf ogt, %select_n3A_476, %select_n3A_469 : f32
    %eq3A_486 = arith.cmpf oeq, %select_n3A_476, %select_n3A_469 : f32
    %lt3A_487 = arith.cmpi slt, %select_n3A_477, %select_n3A_470 : i32
    %and3A_488 = arith.andi %eq3A_486, %lt3A_487 : i1
    %or3A_489 = arith.ori %gt3A_485, %and3A_488 : i1
    %select_n3A_490 = arith.select %or3A_489, %select_n3A_476, %select_n3A_469 : f32
    %select_n3A_491 = arith.select %or3A_489, %select_n3A_477, %select_n3A_470 : i32
    %gt3A_492 = arith.cmpf ogt, %select_n3A_490, %select_n3A_483 : f32
    %eq3A_493 = arith.cmpf oeq, %select_n3A_490, %select_n3A_483 : f32
    %lt3A_494 = arith.cmpi slt, %select_n3A_491, %select_n3A_484 : i32
    %and3A_495 = arith.andi %eq3A_493, %lt3A_494 : i1
    %or3A_496 = arith.ori %gt3A_492, %and3A_495 : i1
    %select_n3A_497 = arith.select %or3A_496, %select_n3A_490, %select_n3A_483 : f32
    %select_n3A_498 = arith.select %or3A_496, %select_n3A_491, %select_n3A_484 : i32
    %eq3A_499 = arith.constant 0 : i32
    %eq3A_500 = vector.broadcast %eq3A_499 : i32 to vector<16xi32>
    %eq3A_501 = arith.cmpi eq, %iota3A, %eq3A_500 : vector<16xi32>
    %broadcast_in_dim3A_502 = vector.broadcast %select_n3A_498 : i32 to vector<16xi32>
    %select_n3A_503 = arith.select %eq3A_501, %broadcast_in_dim3A_502, %broadcast_in_dim3A_19 : vector<16xi1>, vector<16xi32>
    %dma_wait3A_504 = arith.constant 1 : i32
    %dma_wait3A_505 = arith.constant 0 : i32
    %dma_wait3A_506 = tpu.memref_slice %arg4[%dma_wait3A_504, %dma_wait3A_505] : memref<2x32768xf32, #tpu.memory_space<vmem>> -> memref<1x32768xf32, #tpu.memory_space<vmem>>
    %dma_wait3A_507 = tpu.memref_squeeze %dma_wait3A_506 : memref<1x32768xf32, #tpu.memory_space<vmem>> -> memref<32768xf32, #tpu.memory_space<vmem>>
    %dma_wait3A_508 = arith.constant 0 : i32
    %dma_wait3A_509 = tpu.memref_slice %arg2[%add3A_25, %dma_wait3A_508] : memref<128x32768xf32, #tpu.memory_space<hbm>> -> memref<1x32768xf32, #tpu.memory_space<hbm>>
    %dma_wait3A_510 = tpu.memref_squeeze %dma_wait3A_509 : memref<1x32768xf32, #tpu.memory_space<hbm>> -> memref<32768xf32, #tpu.memory_space<hbm>>
    %dma_wait3A_511 = arith.constant 0 : i32
    %dma_wait3A_512 = tpu.memref_slice %arg4[%dma_wait3A_504, %dma_wait3A_511] : memref<2x32768xf32, #tpu.memory_space<vmem>> -> memref<1x32768xf32, #tpu.memory_space<vmem>>
    %dma_wait3A_513 = tpu.memref_squeeze %dma_wait3A_512 : memref<1x32768xf32, #tpu.memory_space<vmem>> -> memref<32768xf32, #tpu.memory_space<vmem>>
    %dma_wait3A_514 = arith.constant 0 : i32
    %dma_wait3A_515 = tpu.memref_slice %arg2[%add3A_25, %dma_wait3A_514] : memref<128x32768xf32, #tpu.memory_space<hbm>> -> memref<1x32768xf32, #tpu.memory_space<hbm>>
    %dma_wait3A_516 = tpu.memref_squeeze %dma_wait3A_515 : memref<1x32768xf32, #tpu.memory_space<hbm>> -> memref<32768xf32, #tpu.memory_space<hbm>>
    tpu.wait_dma2 semaphore(%arg7 : memref<!tpu.dma_semaphore, #tpu.memory_space<semaphore_mem>>) src(%dma_wait3A_516 : memref<32768xf32, #tpu.memory_space<hbm>>) dst(%dma_wait3A_513 : memref<32768xf32, #tpu.memory_space<vmem>>)
    %broadcast_in_dim3A_517 = arith.constant 0xFF800000 : f32
    %broadcast_in_dim3A_518 = vector.broadcast %broadcast_in_dim3A_517 : f32 to vector<16xf32>
    %broadcast_in_dim3A_519 = arith.constant 0 : i32
    %broadcast_in_dim3A_520 = vector.broadcast %broadcast_in_dim3A_519 : i32 to vector<16xi32>
    %parallel_loop3A_521 = arith.constant 0 : i32
    %parallel_loop3A_522 = arith.constant 256 : i32
    %parallel_loop3A_523 = arith.constant 1 : i32
    %parallel_loop3A_524:2 = scf.for %parallel_loop3A_983 = %parallel_loop3A_521 to %parallel_loop3A_522 step %parallel_loop3A_523 iter_args(%parallel_loop3A_984 = %broadcast_in_dim3A_518, %parallel_loop3A_985 = %broadcast_in_dim3A_520) -> (vector<16xf32>, vector<16xi32>)  : i32 {
      %parallel_loop3A_986 = arith.constant 128 : i32
      %parallel_loop3A_987 = arith.muli %parallel_loop3A_983, %parallel_loop3A_986 : i32
      %parallel_loop3A_988 = arith.constant 0 : i32
      %parallel_loop3A_989 = arith.addi %parallel_loop3A_987, %parallel_loop3A_988 : i32
      %parallel_loop3A_990 = arith.constant 1 : i32
      %parallel_loop3A_991 = arith.index_cast %parallel_loop3A_990 : i32 to index
      %parallel_loop3A_992 = arith.index_cast %parallel_loop3A_989 : i32 to index
      %parallel_loop3A_993 = tpu.vector_load %arg4[%parallel_loop3A_991, %parallel_loop3A_992] {strides = array<i32>} : memref<2x32768xf32, #tpu.memory_space<vmem>>, vector<1x16xf32>,
      %parallel_loop3A_994 = vector.shape_cast %parallel_loop3A_993 : vector<1x16xf32> to vector<16xf32>
      %parallel_loop3A_995 = arith.constant 16 : i32
      %parallel_loop3A_996 = arith.addi %parallel_loop3A_987, %parallel_loop3A_995 : i32
      %parallel_loop3A_997 = arith.constant 1 : i32
      %parallel_loop3A_998 = arith.index_cast %parallel_loop3A_997 : i32 to index
      %parallel_loop3A_999 = arith.index_cast %parallel_loop3A_996 : i32 to index
      %parallel_loop3A_1000 = tpu.vector_load %arg4[%parallel_loop3A_998, %parallel_loop3A_999] {strides = array<i32>} : memref<2x32768xf32, #tpu.memory_space<vmem>>, vector<1x16xf32>,
      %parallel_loop3A_1001 = vector.shape_cast %parallel_loop3A_1000 : vector<1x16xf32> to vector<16xf32>
      %parallel_loop3A_1002 = arith.constant 32 : i32
      %parallel_loop3A_1003 = arith.addi %parallel_loop3A_987, %parallel_loop3A_1002 : i32
      %parallel_loop3A_1004 = arith.constant 1 : i32
      %parallel_loop3A_1005 = arith.index_cast %parallel_loop3A_1004 : i32 to index
      %parallel_loop3A_1006 = arith.index_cast %parallel_loop3A_1003 : i32 to index
      %parallel_loop3A_1007 = tpu.vector_load %arg4[%parallel_loop3A_1005, %parallel_loop3A_1006] {strides = array<i32>} : memref<2x32768xf32, #tpu.memory_space<vmem>>, vector<1x16xf32>,
      %parallel_loop3A_1008 = vector.shape_cast %parallel_loop3A_1007 : vector<1x16xf32> to vector<16xf32>
      %parallel_loop3A_1009 = arith.constant 48 : i32
      %parallel_loop3A_1010 = arith.addi %parallel_loop3A_987, %parallel_loop3A_1009 : i32
      %parallel_loop3A_1011 = arith.constant 1 : i32
      %parallel_loop3A_1012 = arith.index_cast %parallel_loop3A_1011 : i32 to index
      %parallel_loop3A_1013 = arith.index_cast %parallel_loop3A_1010 : i32 to index
      %parallel_loop3A_1014 = tpu.vector_load %arg4[%parallel_loop3A_1012, %parallel_loop3A_1013] {strides = array<i32>} : memref<2x32768xf32, #tpu.memory_space<vmem>>, vector<1x16xf32>,
      %parallel_loop3A_1015 = vector.shape_cast %parallel_loop3A_1014 : vector<1x16xf32> to vector<16xf32>
      %parallel_loop3A_1016 = arith.constant 64 : i32
      %parallel_loop3A_1017 = arith.addi %parallel_loop3A_987, %parallel_loop3A_1016 : i32
      %parallel_loop3A_1018 = arith.constant 1 : i32
      %parallel_loop3A_1019 = arith.index_cast %parallel_loop3A_1018 : i32 to index
      %parallel_loop3A_1020 = arith.index_cast %parallel_loop3A_1017 : i32 to index
      %parallel_loop3A_1021 = tpu.vector_load %arg4[%parallel_loop3A_1019, %parallel_loop3A_1020] {strides = array<i32>} : memref<2x32768xf32, #tpu.memory_space<vmem>>, vector<1x16xf32>,
      %parallel_loop3A_1022 = vector.shape_cast %parallel_loop3A_1021 : vector<1x16xf32> to vector<16xf32>
      %parallel_loop3A_1023 = arith.constant 80 : i32
      %parallel_loop3A_1024 = arith.addi %parallel_loop3A_987, %parallel_loop3A_1023 : i32
      %parallel_loop3A_1025 = arith.constant 1 : i32
      %parallel_loop3A_1026 = arith.index_cast %parallel_loop3A_1025 : i32 to index
      %parallel_loop3A_1027 = arith.index_cast %parallel_loop3A_1024 : i32 to index
      %parallel_loop3A_1028 = tpu.vector_load %arg4[%parallel_loop3A_1026, %parallel_loop3A_1027] {strides = array<i32>} : memref<2x32768xf32, #tpu.memory_space<vmem>>, vector<1x16xf32>,
      %parallel_loop3A_1029 = vector.shape_cast %parallel_loop3A_1028 : vector<1x16xf32> to vector<16xf32>
      %parallel_loop3A_1030 = arith.constant 96 : i32
      %parallel_loop3A_1031 = arith.addi %parallel_loop3A_987, %parallel_loop3A_1030 : i32
      %parallel_loop3A_1032 = arith.constant 1 : i32
      %parallel_loop3A_1033 = arith.index_cast %parallel_loop3A_1032 : i32 to index
      %parallel_loop3A_1034 = arith.index_cast %parallel_loop3A_1031 : i32 to index
      %parallel_loop3A_1035 = tpu.vector_load %arg4[%parallel_loop3A_1033, %parallel_loop3A_1034] {strides = array<i32>} : memref<2x32768xf32, #tpu.memory_space<vmem>>, vector<1x16xf32>,
      %parallel_loop3A_1036 = vector.shape_cast %parallel_loop3A_1035 : vector<1x16xf32> to vector<16xf32>
      %parallel_loop3A_1037 = arith.constant 112 : i32
      %parallel_loop3A_1038 = arith.addi %parallel_loop3A_987, %parallel_loop3A_1037 : i32
      %parallel_loop3A_1039 = arith.constant 1 : i32
      %parallel_loop3A_1040 = arith.index_cast %parallel_loop3A_1039 : i32 to index
      %parallel_loop3A_1041 = arith.index_cast %parallel_loop3A_1038 : i32 to index
      %parallel_loop3A_1042 = tpu.vector_load %arg4[%parallel_loop3A_1040, %parallel_loop3A_1041] {strides = array<i32>} : memref<2x32768xf32, #tpu.memory_space<vmem>>, vector<1x16xf32>,
      %parallel_loop3A_1043 = vector.shape_cast %parallel_loop3A_1042 : vector<1x16xf32> to vector<16xf32>
      %parallel_loop3A_1044 = arith.maximumf %parallel_loop3A_994, %parallel_loop3A_1001 : vector<16xf32>
      %parallel_loop3A_1045 = arith.maximumf %parallel_loop3A_1008, %parallel_loop3A_1015 : vector<16xf32>
      %parallel_loop3A_1046 = arith.maximumf %parallel_loop3A_1022, %parallel_loop3A_1029 : vector<16xf32>
      %parallel_loop3A_1047 = arith.maximumf %parallel_loop3A_1036, %parallel_loop3A_1043 : vector<16xf32>
      %parallel_loop3A_1048 = arith.maximumf %parallel_loop3A_1044, %parallel_loop3A_1045 : vector<16xf32>
      %parallel_loop3A_1049 = arith.maximumf %parallel_loop3A_1046, %parallel_loop3A_1047 : vector<16xf32>
      %parallel_loop3A_1050 = arith.maximumf %parallel_loop3A_1048, %parallel_loop3A_1049 : vector<16xf32>
      %parallel_loop3A_1051 = arith.cmpf ogt, %parallel_loop3A_1050, %parallel_loop3A_984 : vector<16xf32>
      %parallel_loop3A_1052 = arith.select %parallel_loop3A_1051, %parallel_loop3A_1050, %parallel_loop3A_984 : vector<16xi1>, vector<16xf32>
      %parallel_loop3A_1053 = vector.broadcast %parallel_loop3A_983 : i32 to vector<16xi32>
      %parallel_loop3A_1054 = arith.select %parallel_loop3A_1051, %parallel_loop3A_1053, %parallel_loop3A_985 : vector<16xi1>, vector<16xi32>
      scf.yield %parallel_loop3A_1052, %parallel_loop3A_1054 : vector<16xf32>, vector<16xi32>
    } {sc.loop_unroll_factor = 4 : i64, sc.parallel_access}
    %slice3A_525 = vector.extract_strided_slice %parallel_loop3A_524#0 {offsets = [0], sizes = [1], strides = [1]} : vector<16xf32> to vector<1xf32>
    %squeeze3A_526 = vector.extract %slice3A_525[0] : f32 from vector<1xf32>
    %slice3A_527 = vector.extract_strided_slice %parallel_loop3A_524#0 {offsets = [1], sizes = [1], strides = [1]} : vector<16xf32> to vector<1xf32>
    %squeeze3A_528 = vector.extract %slice3A_527[0] : f32 from vector<1xf32>
    %slice3A_529 = vector.extract_strided_slice %parallel_loop3A_524#0 {offsets = [2], sizes = [1], strides = [1]} : vector<16xf32> to vector<1xf32>
    %squeeze3A_530 = vector.extract %slice3A_529[0] : f32 from vector<1xf32>
    %slice3A_531 = vector.extract_strided_slice %parallel_loop3A_524#0 {offsets = [3], sizes = [1], strides = [1]} : vector<16xf32> to vector<1xf32>
    %squeeze3A_532 = vector.extract %slice3A_531[0] : f32 from vector<1xf32>
    %slice3A_533 = vector.extract_strided_slice %parallel_loop3A_524#0 {offsets = [4], sizes = [1], strides = [1]} : vector<16xf32> to vector<1xf32>
    %squeeze3A_534 = vector.extract %slice3A_533[0] : f32 from vector<1xf32>
    %slice3A_535 = vector.extract_strided_slice %parallel_loop3A_524#0 {offsets = [5], sizes = [1], strides = [1]} : vector<16xf32> to vector<1xf32>
    %squeeze3A_536 = vector.extract %slice3A_535[0] : f32 from vector<1xf32>
    %slice3A_537 = vector.extract_strided_slice %parallel_loop3A_524#0 {offsets = [6], sizes = [1], strides = [1]} : vector<16xf32> to vector<1xf32>
    %squeeze3A_538 = vector.extract %slice3A_537[0] : f32 from vector<1xf32>
    %slice3A_539 = vector.extract_strided_slice %parallel_loop3A_524#0 {offsets = [7], sizes = [1], strides = [1]} : vector<16xf32> to vector<1xf32>
    %squeeze3A_540 = vector.extract %slice3A_539[0] : f32 from vector<1xf32>
    %slice3A_541 = vector.extract_strided_slice %parallel_loop3A_524#0 {offsets = [8], sizes = [1], strides = [1]} : vector<16xf32> to vector<1xf32>
    %squeeze3A_542 = vector.extract %slice3A_541[0] : f32 from vector<1xf32>
    %slice3A_543 = vector.extract_strided_slice %parallel_loop3A_524#0 {offsets = [9], sizes = [1], strides = [1]} : vector<16xf32> to vector<1xf32>
    %squeeze3A_544 = vector.extract %slice3A_543[0] : f32 from vector<1xf32>
    %slice3A_545 = vector.extract_strided_slice %parallel_loop3A_524#0 {offsets = [10], sizes = [1], strides = [1]} : vector<16xf32> to vector<1xf32>
    %squeeze3A_546 = vector.extract %slice3A_545[0] : f32 from vector<1xf32>
    %slice3A_547 = vector.extract_strided_slice %parallel_loop3A_524#0 {offsets = [11], sizes = [1], strides = [1]} : vector<16xf32> to vector<1xf32>
    %squeeze3A_548 = vector.extract %slice3A_547[0] : f32 from vector<1xf32>
    %slice3A_549 = vector.extract_strided_slice %parallel_loop3A_524#0 {offsets = [12], sizes = [1], strides = [1]} : vector<16xf32> to vector<1xf32>
    %squeeze3A_550 = vector.extract %slice3A_549[0] : f32 from vector<1xf32>
    %slice3A_551 = vector.extract_strided_slice %parallel_loop3A_524#0 {offsets = [13], sizes = [1], strides = [1]} : vector<16xf32> to vector<1xf32>
    %squeeze3A_552 = vector.extract %slice3A_551[0] : f32 from vector<1xf32>
    %slice3A_553 = vector.extract_strided_slice %parallel_loop3A_524#0 {offsets = [14], sizes = [1], strides = [1]} : vector<16xf32> to vector<1xf32>
    %squeeze3A_554 = vector.extract %slice3A_553[0] : f32 from vector<1xf32>
    %slice3A_555 = vector.extract_strided_slice %parallel_loop3A_524#0 {offsets = [15], sizes = [1], strides = [1]} : vector<16xf32> to vector<1xf32>
    %squeeze3A_556 = vector.extract %slice3A_555[0] : f32 from vector<1xf32>
    %slice3A_557 = vector.extract_strided_slice %parallel_loop3A_524#1 {offsets = [0], sizes = [1], strides = [1]} : vector<16xi32> to vector<1xi32>
    %squeeze3A_558 = vector.extract %slice3A_557[0] : i32 from vector<1xi32>
    %slice3A_559 = vector.extract_strided_slice %parallel_loop3A_524#1 {offsets = [1], sizes = [1], strides = [1]} : vector<16xi32> to vector<1xi32>
    %squeeze3A_560 = vector.extract %slice3A_559[0] : i32 from vector<1xi32>
    %slice3A_561 = vector.extract_strided_slice %parallel_loop3A_524#1 {offsets = [2], sizes = [1], strides = [1]} : vector<16xi32> to vector<1xi32>
    %squeeze3A_562 = vector.extract %slice3A_561[0] : i32 from vector<1xi32>
    %slice3A_563 = vector.extract_strided_slice %parallel_loop3A_524#1 {offsets = [3], sizes = [1], strides = [1]} : vector<16xi32> to vector<1xi32>
    %squeeze3A_564 = vector.extract %slice3A_563[0] : i32 from vector<1xi32>
    %slice3A_565 = vector.extract_strided_slice %parallel_loop3A_524#1 {offsets = [4], sizes = [1], strides = [1]} : vector<16xi32> to vector<1xi32>
    %squeeze3A_566 = vector.extract %slice3A_565[0] : i32 from vector<1xi32>
    %slice3A_567 = vector.extract_strided_slice %parallel_loop3A_524#1 {offsets = [5], sizes = [1], strides = [1]} : vector<16xi32> to vector<1xi32>
    %squeeze3A_568 = vector.extract %slice3A_567[0] : i32 from vector<1xi32>
    %slice3A_569 = vector.extract_strided_slice %parallel_loop3A_524#1 {offsets = [6], sizes = [1], strides = [1]} : vector<16xi32> to vector<1xi32>
    %squeeze3A_570 = vector.extract %slice3A_569[0] : i32 from vector<1xi32>
    %slice3A_571 = vector.extract_strided_slice %parallel_loop3A_524#1 {offsets = [7], sizes = [1], strides = [1]} : vector<16xi32> to vector<1xi32>
    %squeeze3A_572 = vector.extract %slice3A_571[0] : i32 from vector<1xi32>
    %slice3A_573 = vector.extract_strided_slice %parallel_loop3A_524#1 {offsets = [8], sizes = [1], strides = [1]} : vector<16xi32> to vector<1xi32>
    %squeeze3A_574 = vector.extract %slice3A_573[0] : i32 from vector<1xi32>
    %slice3A_575 = vector.extract_strided_slice %parallel_loop3A_524#1 {offsets = [9], sizes = [1], strides = [1]} : vector<16xi32> to vector<1xi32>
    %squeeze3A_576 = vector.extract %slice3A_575[0] : i32 from vector<1xi32>
    %slice3A_577 = vector.extract_strided_slice %parallel_loop3A_524#1 {offsets = [10], sizes = [1], strides = [1]} : vector<16xi32> to vector<1xi32>
    %squeeze3A_578 = vector.extract %slice3A_577[0] : i32 from vector<1xi32>
    %slice3A_579 = vector.extract_strided_slice %parallel_loop3A_524#1 {offsets = [11], sizes = [1], strides = [1]} : vector<16xi32> to vector<1xi32>
    %squeeze3A_580 = vector.extract %slice3A_579[0] : i32 from vector<1xi32>
    %slice3A_581 = vector.extract_strided_slice %parallel_loop3A_524#1 {offsets = [12], sizes = [1], strides = [1]} : vector<16xi32> to vector<1xi32>
    %squeeze3A_582 = vector.extract %slice3A_581[0] : i32 from vector<1xi32>
    %slice3A_583 = vector.extract_strided_slice %parallel_loop3A_524#1 {offsets = [13], sizes = [1], strides = [1]} : vector<16xi32> to vector<1xi32>
    %squeeze3A_584 = vector.extract %slice3A_583[0] : i32 from vector<1xi32>
    %slice3A_585 = vector.extract_strided_slice %parallel_loop3A_524#1 {offsets = [14], sizes = [1], strides = [1]} : vector<16xi32> to vector<1xi32>
    %squeeze3A_586 = vector.extract %slice3A_585[0] : i32 from vector<1xi32>
    %slice3A_587 = vector.extract_strided_slice %parallel_loop3A_524#1 {offsets = [15], sizes = [1], strides = [1]} : vector<16xi32> to vector<1xi32>
    %squeeze3A_588 = vector.extract %slice3A_587[0] : i32 from vector<1xi32>
    %gt3A_589 = arith.cmpf ogt, %squeeze3A_528, %squeeze3A_526 : f32
    %eq3A_590 = arith.cmpf oeq, %squeeze3A_528, %squeeze3A_526 : f32
    %lt3A_591 = arith.cmpi slt, %squeeze3A_560, %squeeze3A_558 : i32
    %and3A_592 = arith.andi %eq3A_590, %lt3A_591 : i1
    %or3A_593 = arith.ori %gt3A_589, %and3A_592 : i1
    %select_n3A_594 = arith.select %or3A_593, %squeeze3A_528, %squeeze3A_526 : f32
    %select_n3A_595 = arith.select %or3A_593, %squeeze3A_560, %squeeze3A_558 : i32
    %gt3A_596 = arith.cmpf ogt, %squeeze3A_532, %squeeze3A_530 : f32
    %eq3A_597 = arith.cmpf oeq, %squeeze3A_532, %squeeze3A_530 : f32
    %lt3A_598 = arith.cmpi slt, %squeeze3A_564, %squeeze3A_562 : i32
    %and3A_599 = arith.andi %eq3A_597, %lt3A_598 : i1
    %or3A_600 = arith.ori %gt3A_596, %and3A_599 : i1
    %select_n3A_601 = arith.select %or3A_600, %squeeze3A_532, %squeeze3A_530 : f32
    %select_n3A_602 = arith.select %or3A_600, %squeeze3A_564, %squeeze3A_562 : i32
    %gt3A_603 = arith.cmpf ogt, %squeeze3A_536, %squeeze3A_534 : f32
    %eq3A_604 = arith.cmpf oeq, %squeeze3A_536, %squeeze3A_534 : f32
    %lt3A_605 = arith.cmpi slt, %squeeze3A_568, %squeeze3A_566 : i32
    %and3A_606 = arith.andi %eq3A_604, %lt3A_605 : i1
    %or3A_607 = arith.ori %gt3A_603, %and3A_606 : i1
    %select_n3A_608 = arith.select %or3A_607, %squeeze3A_536, %squeeze3A_534 : f32
    %select_n3A_609 = arith.select %or3A_607, %squeeze3A_568, %squeeze3A_566 : i32
    %gt3A_610 = arith.cmpf ogt, %squeeze3A_540, %squeeze3A_538 : f32
    %eq3A_611 = arith.cmpf oeq, %squeeze3A_540, %squeeze3A_538 : f32
    %lt3A_612 = arith.cmpi slt, %squeeze3A_572, %squeeze3A_570 : i32
    %and3A_613 = arith.andi %eq3A_611, %lt3A_612 : i1
    %or3A_614 = arith.ori %gt3A_610, %and3A_613 : i1
    %select_n3A_615 = arith.select %or3A_614, %squeeze3A_540, %squeeze3A_538 : f32
    %select_n3A_616 = arith.select %or3A_614, %squeeze3A_572, %squeeze3A_570 : i32
    %gt3A_617 = arith.cmpf ogt, %squeeze3A_544, %squeeze3A_542 : f32
    %eq3A_618 = arith.cmpf oeq, %squeeze3A_544, %squeeze3A_542 : f32
    %lt3A_619 = arith.cmpi slt, %squeeze3A_576, %squeeze3A_574 : i32
    %and3A_620 = arith.andi %eq3A_618, %lt3A_619 : i1
    %or3A_621 = arith.ori %gt3A_617, %and3A_620 : i1
    %select_n3A_622 = arith.select %or3A_621, %squeeze3A_544, %squeeze3A_542 : f32
    %select_n3A_623 = arith.select %or3A_621, %squeeze3A_576, %squeeze3A_574 : i32
    %gt3A_624 = arith.cmpf ogt, %squeeze3A_548, %squeeze3A_546 : f32
    %eq3A_625 = arith.cmpf oeq, %squeeze3A_548, %squeeze3A_546 : f32
    %lt3A_626 = arith.cmpi slt, %squeeze3A_580, %squeeze3A_578 : i32
    %and3A_627 = arith.andi %eq3A_625, %lt3A_626 : i1
    %or3A_628 = arith.ori %gt3A_624, %and3A_627 : i1
    %select_n3A_629 = arith.select %or3A_628, %squeeze3A_548, %squeeze3A_546 : f32
    %select_n3A_630 = arith.select %or3A_628, %squeeze3A_580, %squeeze3A_578 : i32
    %gt3A_631 = arith.cmpf ogt, %squeeze3A_552, %squeeze3A_550 : f32
    %eq3A_632 = arith.cmpf oeq, %squeeze3A_552, %squeeze3A_550 : f32
    %lt3A_633 = arith.cmpi slt, %squeeze3A_584, %squeeze3A_582 : i32
    %and3A_634 = arith.andi %eq3A_632, %lt3A_633 : i1
    %or3A_635 = arith.ori %gt3A_631, %and3A_634 : i1
    %select_n3A_636 = arith.select %or3A_635, %squeeze3A_552, %squeeze3A_550 : f32
    %select_n3A_637 = arith.select %or3A_635, %squeeze3A_584, %squeeze3A_582 : i32
    %gt3A_638 = arith.cmpf ogt, %squeeze3A_556, %squeeze3A_554 : f32
    %eq3A_639 = arith.cmpf oeq, %squeeze3A_556, %squeeze3A_554 : f32
    %lt3A_640 = arith.cmpi slt, %squeeze3A_588, %squeeze3A_586 : i32
    %and3A_641 = arith.andi %eq3A_639, %lt3A_640 : i1
    %or3A_642 = arith.ori %gt3A_638, %and3A_641 : i1
    %select_n3A_643 = arith.select %or3A_642, %squeeze3A_556, %squeeze3A_554 : f32
    %select_n3A_644 = arith.select %or3A_642, %squeeze3A_588, %squeeze3A_586 : i32
    %gt3A_645 = arith.cmpf ogt, %select_n3A_601, %select_n3A_594 : f32
    %eq3A_646 = arith.cmpf oeq, %select_n3A_601, %select_n3A_594 : f32
    %lt3A_647 = arith.cmpi slt, %select_n3A_602, %select_n3A_595 : i32
    %and3A_648 = arith.andi %eq3A_646, %lt3A_647 : i1
    %or3A_649 = arith.ori %gt3A_645, %and3A_648 : i1
    %select_n3A_650 = arith.select %or3A_649, %select_n3A_601, %select_n3A_594 : f32
    %select_n3A_651 = arith.select %or3A_649, %select_n3A_602, %select_n3A_595 : i32
    %gt3A_652 = arith.cmpf ogt, %select_n3A_615, %select_n3A_608 : f32
    %eq3A_653 = arith.cmpf oeq, %select_n3A_615, %select_n3A_608 : f32
    %lt3A_654 = arith.cmpi slt, %select_n3A_616, %select_n3A_609 : i32
    %and3A_655 = arith.andi %eq3A_653, %lt3A_654 : i1
    %or3A_656 = arith.ori %gt3A_652, %and3A_655 : i1
    %select_n3A_657 = arith.select %or3A_656, %select_n3A_615, %select_n3A_608 : f32
    %select_n3A_658 = arith.select %or3A_656, %select_n3A_616, %select_n3A_609 : i32
    %gt3A_659 = arith.cmpf ogt, %select_n3A_629, %select_n3A_622 : f32
    %eq3A_660 = arith.cmpf oeq, %select_n3A_629, %select_n3A_622 : f32
    %lt3A_661 = arith.cmpi slt, %select_n3A_630, %select_n3A_623 : i32
    %and3A_662 = arith.andi %eq3A_660, %lt3A_661 : i1
    %or3A_663 = arith.ori %gt3A_659, %and3A_662 : i1
    %select_n3A_664 = arith.select %or3A_663, %select_n3A_629, %select_n3A_622 : f32
    %select_n3A_665 = arith.select %or3A_663, %select_n3A_630, %select_n3A_623 : i32
    %gt3A_666 = arith.cmpf ogt, %select_n3A_643, %select_n3A_636 : f32
    %eq3A_667 = arith.cmpf oeq, %select_n3A_643, %select_n3A_636 : f32
    %lt3A_668 = arith.cmpi slt, %select_n3A_644, %select_n3A_637 : i32
    %and3A_669 = arith.andi %eq3A_667, %lt3A_668 : i1
    %or3A_670 = arith.ori %gt3A_666, %and3A_669 : i1
    %select_n3A_671 = arith.select %or3A_670, %select_n3A_643, %select_n3A_636 : f32
    %select_n3A_672 = arith.select %or3A_670, %select_n3A_644, %select_n3A_637 : i32
    %gt3A_673 = arith.cmpf ogt, %select_n3A_657, %select_n3A_650 : f32
    %eq3A_674 = arith.cmpf oeq, %select_n3A_657, %select_n3A_650 : f32
    %lt3A_675 = arith.cmpi slt, %select_n3A_658, %select_n3A_651 : i32
    %and3A_676 = arith.andi %eq3A_674, %lt3A_675 : i1
    %or3A_677 = arith.ori %gt3A_673, %and3A_676 : i1
    %select_n3A_678 = arith.select %or3A_677, %select_n3A_657, %select_n3A_650 : f32
    %select_n3A_679 = arith.select %or3A_677, %select_n3A_658, %select_n3A_651 : i32
    %gt3A_680 = arith.cmpf ogt, %select_n3A_671, %select_n3A_664 : f32
    %eq3A_681 = arith.cmpf oeq, %select_n3A_671, %select_n3A_664 : f32
    %lt3A_682 = arith.cmpi slt, %select_n3A_672, %select_n3A_665 : i32
    %and3A_683 = arith.andi %eq3A_681, %lt3A_682 : i1
    %or3A_684 = arith.ori %gt3A_680, %and3A_683 : i1
    %select_n3A_685 = arith.select %or3A_684, %select_n3A_671, %select_n3A_664 : f32
    %select_n3A_686 = arith.select %or3A_684, %select_n3A_672, %select_n3A_665 : i32
    %gt3A_687 = arith.cmpf ogt, %select_n3A_685, %select_n3A_678 : f32
    %eq3A_688 = arith.cmpf oeq, %select_n3A_685, %select_n3A_678 : f32
    %lt3A_689 = arith.cmpi slt, %select_n3A_686, %select_n3A_679 : i32
    %and3A_690 = arith.andi %eq3A_688, %lt3A_689 : i1
    %or3A_691 = arith.ori %gt3A_687, %and3A_690 : i1
    %select_n3A_692 = arith.select %or3A_691, %select_n3A_685, %select_n3A_678 : f32
    %select_n3A_693 = arith.select %or3A_691, %select_n3A_686, %select_n3A_679 : i32
    %mul3A_694 = arith.constant 128 : i32
    %mul3A_695 = arith.muli %select_n3A_693, %mul3A_694 : i32
    %add3A_696 = vector.broadcast %mul3A_695 : i32 to vector<16xi32>
    %add3A_697 = arith.addi %add3A_696, %iota3A : vector<16xi32>
    %broadcast_in_dim3A_698 = arith.constant 0xFF800000 : f32
    %broadcast_in_dim3A_699 = vector.broadcast %broadcast_in_dim3A_698 : f32 to vector<16xf32>
    %broadcast_in_dim3A_700 = arith.constant 0 : i32
    %broadcast_in_dim3A_701 = vector.broadcast %broadcast_in_dim3A_700 : i32 to vector<16xi32>
    %add3A_702 = arith.constant 0 : i32
    %add3A_703 = arith.addi %mul3A_695, %add3A_702 : i32
    %get3A_704 = arith.constant 1 : i32
    %get3A_705 = arith.index_cast %get3A_704 : i32 to index
    %get3A_706 = arith.index_cast %add3A_703 : i32 to index
    %get3A_707 = tpu.vector_load %arg4[%get3A_705, %get3A_706] {strides = array<i32>} : memref<2x32768xf32, #tpu.memory_space<vmem>>, vector<1x16xf32>,
    %get3A_708 = vector.shape_cast %get3A_707 : vector<1x16xf32> to vector<16xf32>
    %gt3A_709 = arith.cmpf ogt, %get3A_708, %broadcast_in_dim3A_699 : vector<16xf32>
    %select_n3A_710 = arith.select %gt3A_709, %get3A_708, %broadcast_in_dim3A_699 : vector<16xi1>, vector<16xf32>
    %add3A_711 = arith.constant 0 : i32
    %add3A_712 = vector.broadcast %add3A_711 : i32 to vector<16xi32>
    %add3A_713 = arith.addi %add3A_697, %add3A_712 : vector<16xi32>
    %select_n3A_714 = arith.select %gt3A_709, %add3A_713, %broadcast_in_dim3A_701 : vector<16xi1>, vector<16xi32>
    %add3A_715 = arith.constant 16 : i32
    %add3A_716 = arith.addi %mul3A_695, %add3A_715 : i32
    %get3A_717 = arith.constant 1 : i32
    %get3A_718 = arith.index_cast %get3A_717 : i32 to index
    %get3A_719 = arith.index_cast %add3A_716 : i32 to index
    %get3A_720 = tpu.vector_load %arg4[%get3A_718, %get3A_719] {strides = array<i32>} : memref<2x32768xf32, #tpu.memory_space<vmem>>, vector<1x16xf32>,
    %get3A_721 = vector.shape_cast %get3A_720 : vector<1x16xf32> to vector<16xf32>
    %gt3A_722 = arith.cmpf ogt, %get3A_721, %select_n3A_710 : vector<16xf32>
    %select_n3A_723 = arith.select %gt3A_722, %get3A_721, %select_n3A_710 : vector<16xi1>, vector<16xf32>
    %add3A_724 = arith.constant 16 : i32
    %add3A_725 = vector.broadcast %add3A_724 : i32 to vector<16xi32>
    %add3A_726 = arith.addi %add3A_697, %add3A_725 : vector<16xi32>
    %select_n3A_727 = arith.select %gt3A_722, %add3A_726, %select_n3A_714 : vector<16xi1>, vector<16xi32>
    %add3A_728 = arith.constant 32 : i32
    %add3A_729 = arith.addi %mul3A_695, %add3A_728 : i32
    %get3A_730 = arith.constant 1 : i32
    %get3A_731 = arith.index_cast %get3A_730 : i32 to index
    %get3A_732 = arith.index_cast %add3A_729 : i32 to index
    %get3A_733 = tpu.vector_load %arg4[%get3A_731, %get3A_732] {strides = array<i32>} : memref<2x32768xf32, #tpu.memory_space<vmem>>, vector<1x16xf32>,
    %get3A_734 = vector.shape_cast %get3A_733 : vector<1x16xf32> to vector<16xf32>
    %gt3A_735 = arith.cmpf ogt, %get3A_734, %select_n3A_723 : vector<16xf32>
    %select_n3A_736 = arith.select %gt3A_735, %get3A_734, %select_n3A_723 : vector<16xi1>, vector<16xf32>
    %add3A_737 = arith.constant 32 : i32
    %add3A_738 = vector.broadcast %add3A_737 : i32 to vector<16xi32>
    %add3A_739 = arith.addi %add3A_697, %add3A_738 : vector<16xi32>
    %select_n3A_740 = arith.select %gt3A_735, %add3A_739, %select_n3A_727 : vector<16xi1>, vector<16xi32>
    %add3A_741 = arith.constant 48 : i32
    %add3A_742 = arith.addi %mul3A_695, %add3A_741 : i32
    %get3A_743 = arith.constant 1 : i32
    %get3A_744 = arith.index_cast %get3A_743 : i32 to index
    %get3A_745 = arith.index_cast %add3A_742 : i32 to index
    %get3A_746 = tpu.vector_load %arg4[%get3A_744, %get3A_745] {strides = array<i32>} : memref<2x32768xf32, #tpu.memory_space<vmem>>, vector<1x16xf32>,
    %get3A_747 = vector.shape_cast %get3A_746 : vector<1x16xf32> to vector<16xf32>
    %gt3A_748 = arith.cmpf ogt, %get3A_747, %select_n3A_736 : vector<16xf32>
    %select_n3A_749 = arith.select %gt3A_748, %get3A_747, %select_n3A_736 : vector<16xi1>, vector<16xf32>
    %add3A_750 = arith.constant 48 : i32
    %add3A_751 = vector.broadcast %add3A_750 : i32 to vector<16xi32>
    %add3A_752 = arith.addi %add3A_697, %add3A_751 : vector<16xi32>
    %select_n3A_753 = arith.select %gt3A_748, %add3A_752, %select_n3A_740 : vector<16xi1>, vector<16xi32>
    %add3A_754 = arith.constant 64 : i32
    %add3A_755 = arith.addi %mul3A_695, %add3A_754 : i32
    %get3A_756 = arith.constant 1 : i32
    %get3A_757 = arith.index_cast %get3A_756 : i32 to index
    %get3A_758 = arith.index_cast %add3A_755 : i32 to index
    %get3A_759 = tpu.vector_load %arg4[%get3A_757, %get3A_758] {strides = array<i32>} : memref<2x32768xf32, #tpu.memory_space<vmem>>, vector<1x16xf32>,
    %get3A_760 = vector.shape_cast %get3A_759 : vector<1x16xf32> to vector<16xf32>
    %gt3A_761 = arith.cmpf ogt, %get3A_760, %select_n3A_749 : vector<16xf32>
    %select_n3A_762 = arith.select %gt3A_761, %get3A_760, %select_n3A_749 : vector<16xi1>, vector<16xf32>
    %add3A_763 = arith.constant 64 : i32
    %add3A_764 = vector.broadcast %add3A_763 : i32 to vector<16xi32>
    %add3A_765 = arith.addi %add3A_697, %add3A_764 : vector<16xi32>
    %select_n3A_766 = arith.select %gt3A_761, %add3A_765, %select_n3A_753 : vector<16xi1>, vector<16xi32>
    %add3A_767 = arith.constant 80 : i32
    %add3A_768 = arith.addi %mul3A_695, %add3A_767 : i32
    %get3A_769 = arith.constant 1 : i32
    %get3A_770 = arith.index_cast %get3A_769 : i32 to index
    %get3A_771 = arith.index_cast %add3A_768 : i32 to index
    %get3A_772 = tpu.vector_load %arg4[%get3A_770, %get3A_771] {strides = array<i32>} : memref<2x32768xf32, #tpu.memory_space<vmem>>, vector<1x16xf32>,
    %get3A_773 = vector.shape_cast %get3A_772 : vector<1x16xf32> to vector<16xf32>
    %gt3A_774 = arith.cmpf ogt, %get3A_773, %select_n3A_762 : vector<16xf32>
    %select_n3A_775 = arith.select %gt3A_774, %get3A_773, %select_n3A_762 : vector<16xi1>, vector<16xf32>
    %add3A_776 = arith.constant 80 : i32
    %add3A_777 = vector.broadcast %add3A_776 : i32 to vector<16xi32>
    %add3A_778 = arith.addi %add3A_697, %add3A_777 : vector<16xi32>
    %select_n3A_779 = arith.select %gt3A_774, %add3A_778, %select_n3A_766 : vector<16xi1>, vector<16xi32>
    %add3A_780 = arith.constant 96 : i32
    %add3A_781 = arith.addi %mul3A_695, %add3A_780 : i32
    %get3A_782 = arith.constant 1 : i32
    %get3A_783 = arith.index_cast %get3A_782 : i32 to index
    %get3A_784 = arith.index_cast %add3A_781 : i32 to index
    %get3A_785 = tpu.vector_load %arg4[%get3A_783, %get3A_784] {strides = array<i32>} : memref<2x32768xf32, #tpu.memory_space<vmem>>, vector<1x16xf32>,
    %get3A_786 = vector.shape_cast %get3A_785 : vector<1x16xf32> to vector<16xf32>
    %gt3A_787 = arith.cmpf ogt, %get3A_786, %select_n3A_775 : vector<16xf32>
    %select_n3A_788 = arith.select %gt3A_787, %get3A_786, %select_n3A_775 : vector<16xi1>, vector<16xf32>
    %add3A_789 = arith.constant 96 : i32
    %add3A_790 = vector.broadcast %add3A_789 : i32 to vector<16xi32>
    %add3A_791 = arith.addi %add3A_697, %add3A_790 : vector<16xi32>
    %select_n3A_792 = arith.select %gt3A_787, %add3A_791, %select_n3A_779 : vector<16xi1>, vector<16xi32>
    %add3A_793 = arith.constant 112 : i32
    %add3A_794 = arith.addi %mul3A_695, %add3A_793 : i32
    %get3A_795 = arith.constant 1 : i32
    %get3A_796 = arith.index_cast %get3A_795 : i32 to index
    %get3A_797 = arith.index_cast %add3A_794 : i32 to index
    %get3A_798 = tpu.vector_load %arg4[%get3A_796, %get3A_797] {strides = array<i32>} : memref<2x32768xf32, #tpu.memory_space<vmem>>, vector<1x16xf32>,
    %get3A_799 = vector.shape_cast %get3A_798 : vector<1x16xf32> to vector<16xf32>
    %gt3A_800 = arith.cmpf ogt, %get3A_799, %select_n3A_788 : vector<16xf32>
    %select_n3A_801 = arith.select %gt3A_800, %get3A_799, %select_n3A_788 : vector<16xi1>, vector<16xf32>
    %add3A_802 = arith.constant 112 : i32
    %add3A_803 = vector.broadcast %add3A_802 : i32 to vector<16xi32>
    %add3A_804 = arith.addi %add3A_697, %add3A_803 : vector<16xi32>
    %select_n3A_805 = arith.select %gt3A_800, %add3A_804, %select_n3A_792 : vector<16xi1>, vector<16xi32>
    %slice3A_806 = vector.extract_strided_slice %select_n3A_801 {offsets = [0], sizes = [1], strides = [1]} : vector<16xf32> to vector<1xf32>
    %squeeze3A_807 = vector.extract %slice3A_806[0] : f32 from vector<1xf32>
    %slice3A_808 = vector.extract_strided_slice %select_n3A_801 {offsets = [1], sizes = [1], strides = [1]} : vector<16xf32> to vector<1xf32>
    %squeeze3A_809 = vector.extract %slice3A_808[0] : f32 from vector<1xf32>
    %slice3A_810 = vector.extract_strided_slice %select_n3A_801 {offsets = [2], sizes = [1], strides = [1]} : vector<16xf32> to vector<1xf32>
    %squeeze3A_811 = vector.extract %slice3A_810[0] : f32 from vector<1xf32>
    %slice3A_812 = vector.extract_strided_slice %select_n3A_801 {offsets = [3], sizes = [1], strides = [1]} : vector<16xf32> to vector<1xf32>
    %squeeze3A_813 = vector.extract %slice3A_812[0] : f32 from vector<1xf32>
    %slice3A_814 = vector.extract_strided_slice %select_n3A_801 {offsets = [4], sizes = [1], strides = [1]} : vector<16xf32> to vector<1xf32>
    %squeeze3A_815 = vector.extract %slice3A_814[0] : f32 from vector<1xf32>
    %slice3A_816 = vector.extract_strided_slice %select_n3A_801 {offsets = [5], sizes = [1], strides = [1]} : vector<16xf32> to vector<1xf32>
    %squeeze3A_817 = vector.extract %slice3A_816[0] : f32 from vector<1xf32>
    %slice3A_818 = vector.extract_strided_slice %select_n3A_801 {offsets = [6], sizes = [1], strides = [1]} : vector<16xf32> to vector<1xf32>
    %squeeze3A_819 = vector.extract %slice3A_818[0] : f32 from vector<1xf32>
    %slice3A_820 = vector.extract_strided_slice %select_n3A_801 {offsets = [7], sizes = [1], strides = [1]} : vector<16xf32> to vector<1xf32>
    %squeeze3A_821 = vector.extract %slice3A_820[0] : f32 from vector<1xf32>
    %slice3A_822 = vector.extract_strided_slice %select_n3A_801 {offsets = [8], sizes = [1], strides = [1]} : vector<16xf32> to vector<1xf32>
    %squeeze3A_823 = vector.extract %slice3A_822[0] : f32 from vector<1xf32>
    %slice3A_824 = vector.extract_strided_slice %select_n3A_801 {offsets = [9], sizes = [1], strides = [1]} : vector<16xf32> to vector<1xf32>
    %squeeze3A_825 = vector.extract %slice3A_824[0] : f32 from vector<1xf32>
    %slice3A_826 = vector.extract_strided_slice %select_n3A_801 {offsets = [10], sizes = [1], strides = [1]} : vector<16xf32> to vector<1xf32>
    %squeeze3A_827 = vector.extract %slice3A_826[0] : f32 from vector<1xf32>
    %slice3A_828 = vector.extract_strided_slice %select_n3A_801 {offsets = [11], sizes = [1], strides = [1]} : vector<16xf32> to vector<1xf32>
    %squeeze3A_829 = vector.extract %slice3A_828[0] : f32 from vector<1xf32>
    %slice3A_830 = vector.extract_strided_slice %select_n3A_801 {offsets = [12], sizes = [1], strides = [1]} : vector<16xf32> to vector<1xf32>
    %squeeze3A_831 = vector.extract %slice3A_830[0] : f32 from vector<1xf32>
    %slice3A_832 = vector.extract_strided_slice %select_n3A_801 {offsets = [13], sizes = [1], strides = [1]} : vector<16xf32> to vector<1xf32>
    %squeeze3A_833 = vector.extract %slice3A_832[0] : f32 from vector<1xf32>
    %slice3A_834 = vector.extract_strided_slice %select_n3A_801 {offsets = [14], sizes = [1], strides = [1]} : vector<16xf32> to vector<1xf32>
    %squeeze3A_835 = vector.extract %slice3A_834[0] : f32 from vector<1xf32>
    %slice3A_836 = vector.extract_strided_slice %select_n3A_801 {offsets = [15], sizes = [1], strides = [1]} : vector<16xf32> to vector<1xf32>
    %squeeze3A_837 = vector.extract %slice3A_836[0] : f32 from vector<1xf32>
    %slice3A_838 = vector.extract_strided_slice %select_n3A_805 {offsets = [0], sizes = [1], strides = [1]} : vector<16xi32> to vector<1xi32>
    %squeeze3A_839 = vector.extract %slice3A_838[0] : i32 from vector<1xi32>
    %slice3A_840 = vector.extract_strided_slice %select_n3A_805 {offsets = [1], sizes = [1], strides = [1]} : vector<16xi32> to vector<1xi32>
    %squeeze3A_841 = vector.extract %slice3A_840[0] : i32 from vector<1xi32>
    %slice3A_842 = vector.extract_strided_slice %select_n3A_805 {offsets = [2], sizes = [1], strides = [1]} : vector<16xi32> to vector<1xi32>
    %squeeze3A_843 = vector.extract %slice3A_842[0] : i32 from vector<1xi32>
    %slice3A_844 = vector.extract_strided_slice %select_n3A_805 {offsets = [3], sizes = [1], strides = [1]} : vector<16xi32> to vector<1xi32>
    %squeeze3A_845 = vector.extract %slice3A_844[0] : i32 from vector<1xi32>
    %slice3A_846 = vector.extract_strided_slice %select_n3A_805 {offsets = [4], sizes = [1], strides = [1]} : vector<16xi32> to vector<1xi32>
    %squeeze3A_847 = vector.extract %slice3A_846[0] : i32 from vector<1xi32>
    %slice3A_848 = vector.extract_strided_slice %select_n3A_805 {offsets = [5], sizes = [1], strides = [1]} : vector<16xi32> to vector<1xi32>
    %squeeze3A_849 = vector.extract %slice3A_848[0] : i32 from vector<1xi32>
    %slice3A_850 = vector.extract_strided_slice %select_n3A_805 {offsets = [6], sizes = [1], strides = [1]} : vector<16xi32> to vector<1xi32>
    %squeeze3A_851 = vector.extract %slice3A_850[0] : i32 from vector<1xi32>
    %slice3A_852 = vector.extract_strided_slice %select_n3A_805 {offsets = [7], sizes = [1], strides = [1]} : vector<16xi32> to vector<1xi32>
    %squeeze3A_853 = vector.extract %slice3A_852[0] : i32 from vector<1xi32>
    %slice3A_854 = vector.extract_strided_slice %select_n3A_805 {offsets = [8], sizes = [1], strides = [1]} : vector<16xi32> to vector<1xi32>
    %squeeze3A_855 = vector.extract %slice3A_854[0] : i32 from vector<1xi32>
    %slice3A_856 = vector.extract_strided_slice %select_n3A_805 {offsets = [9], sizes = [1], strides = [1]} : vector<16xi32> to vector<1xi32>
    %squeeze3A_857 = vector.extract %slice3A_856[0] : i32 from vector<1xi32>
    %slice3A_858 = vector.extract_strided_slice %select_n3A_805 {offsets = [10], sizes = [1], strides = [1]} : vector<16xi32> to vector<1xi32>
    %squeeze3A_859 = vector.extract %slice3A_858[0] : i32 from vector<1xi32>
    %slice3A_860 = vector.extract_strided_slice %select_n3A_805 {offsets = [11], sizes = [1], strides = [1]} : vector<16xi32> to vector<1xi32>
    %squeeze3A_861 = vector.extract %slice3A_860[0] : i32 from vector<1xi32>
    %slice3A_862 = vector.extract_strided_slice %select_n3A_805 {offsets = [12], sizes = [1], strides = [1]} : vector<16xi32> to vector<1xi32>
    %squeeze3A_863 = vector.extract %slice3A_862[0] : i32 from vector<1xi32>
    %slice3A_864 = vector.extract_strided_slice %select_n3A_805 {offsets = [13], sizes = [1], strides = [1]} : vector<16xi32> to vector<1xi32>
    %squeeze3A_865 = vector.extract %slice3A_864[0] : i32 from vector<1xi32>
    %slice3A_866 = vector.extract_strided_slice %select_n3A_805 {offsets = [14], sizes = [1], strides = [1]} : vector<16xi32> to vector<1xi32>
    %squeeze3A_867 = vector.extract %slice3A_866[0] : i32 from vector<1xi32>
    %slice3A_868 = vector.extract_strided_slice %select_n3A_805 {offsets = [15], sizes = [1], strides = [1]} : vector<16xi32> to vector<1xi32>
    %squeeze3A_869 = vector.extract %slice3A_868[0] : i32 from vector<1xi32>
    %gt3A_870 = arith.cmpf ogt, %squeeze3A_809, %squeeze3A_807 : f32
    %eq3A_871 = arith.cmpf oeq, %squeeze3A_809, %squeeze3A_807 : f32
    %lt3A_872 = arith.cmpi slt, %squeeze3A_841, %squeeze3A_839 : i32
    %and3A_873 = arith.andi %eq3A_871, %lt3A_872 : i1
    %or3A_874 = arith.ori %gt3A_870, %and3A_873 : i1
    %select_n3A_875 = arith.select %or3A_874, %squeeze3A_809, %squeeze3A_807 : f32
    %select_n3A_876 = arith.select %or3A_874, %squeeze3A_841, %squeeze3A_839 : i32
    %gt3A_877 = arith.cmpf ogt, %squeeze3A_813, %squeeze3A_811 : f32
    %eq3A_878 = arith.cmpf oeq, %squeeze3A_813, %squeeze3A_811 : f32
    %lt3A_879 = arith.cmpi slt, %squeeze3A_845, %squeeze3A_843 : i32
    %and3A_880 = arith.andi %eq3A_878, %lt3A_879 : i1
    %or3A_881 = arith.ori %gt3A_877, %and3A_880 : i1
    %select_n3A_882 = arith.select %or3A_881, %squeeze3A_813, %squeeze3A_811 : f32
    %select_n3A_883 = arith.select %or3A_881, %squeeze3A_845, %squeeze3A_843 : i32
    %gt3A_884 = arith.cmpf ogt, %squeeze3A_817, %squeeze3A_815 : f32
    %eq3A_885 = arith.cmpf oeq, %squeeze3A_817, %squeeze3A_815 : f32
    %lt3A_886 = arith.cmpi slt, %squeeze3A_849, %squeeze3A_847 : i32
    %and3A_887 = arith.andi %eq3A_885, %lt3A_886 : i1
    %or3A_888 = arith.ori %gt3A_884, %and3A_887 : i1
    %select_n3A_889 = arith.select %or3A_888, %squeeze3A_817, %squeeze3A_815 : f32
    %select_n3A_890 = arith.select %or3A_888, %squeeze3A_849, %squeeze3A_847 : i32
    %gt3A_891 = arith.cmpf ogt, %squeeze3A_821, %squeeze3A_819 : f32
    %eq3A_892 = arith.cmpf oeq, %squeeze3A_821, %squeeze3A_819 : f32
    %lt3A_893 = arith.cmpi slt, %squeeze3A_853, %squeeze3A_851 : i32
    %and3A_894 = arith.andi %eq3A_892, %lt3A_893 : i1
    %or3A_895 = arith.ori %gt3A_891, %and3A_894 : i1
    %select_n3A_896 = arith.select %or3A_895, %squeeze3A_821, %squeeze3A_819 : f32
    %select_n3A_897 = arith.select %or3A_895, %squeeze3A_853, %squeeze3A_851 : i32
    %gt3A_898 = arith.cmpf ogt, %squeeze3A_825, %squeeze3A_823 : f32
    %eq3A_899 = arith.cmpf oeq, %squeeze3A_825, %squeeze3A_823 : f32
    %lt3A_900 = arith.cmpi slt, %squeeze3A_857, %squeeze3A_855 : i32
    %and3A_901 = arith.andi %eq3A_899, %lt3A_900 : i1
    %or3A_902 = arith.ori %gt3A_898, %and3A_901 : i1
    %select_n3A_903 = arith.select %or3A_902, %squeeze3A_825, %squeeze3A_823 : f32
    %select_n3A_904 = arith.select %or3A_902, %squeeze3A_857, %squeeze3A_855 : i32
    %gt3A_905 = arith.cmpf ogt, %squeeze3A_829, %squeeze3A_827 : f32
    %eq3A_906 = arith.cmpf oeq, %squeeze3A_829, %squeeze3A_827 : f32
    %lt3A_907 = arith.cmpi slt, %squeeze3A_861, %squeeze3A_859 : i32
    %and3A_908 = arith.andi %eq3A_906, %lt3A_907 : i1
    %or3A_909 = arith.ori %gt3A_905, %and3A_908 : i1
    %select_n3A_910 = arith.select %or3A_909, %squeeze3A_829, %squeeze3A_827 : f32
    %select_n3A_911 = arith.select %or3A_909, %squeeze3A_861, %squeeze3A_859 : i32
    %gt3A_912 = arith.cmpf ogt, %squeeze3A_833, %squeeze3A_831 : f32
    %eq3A_913 = arith.cmpf oeq, %squeeze3A_833, %squeeze3A_831 : f32
    %lt3A_914 = arith.cmpi slt, %squeeze3A_865, %squeeze3A_863 : i32
    %and3A_915 = arith.andi %eq3A_913, %lt3A_914 : i1
    %or3A_916 = arith.ori %gt3A_912, %and3A_915 : i1
    %select_n3A_917 = arith.select %or3A_916, %squeeze3A_833, %squeeze3A_831 : f32
    %select_n3A_918 = arith.select %or3A_916, %squeeze3A_865, %squeeze3A_863 : i32
    %gt3A_919 = arith.cmpf ogt, %squeeze3A_837, %squeeze3A_835 : f32
    %eq3A_920 = arith.cmpf oeq, %squeeze3A_837, %squeeze3A_835 : f32
    %lt3A_921 = arith.cmpi slt, %squeeze3A_869, %squeeze3A_867 : i32
    %and3A_922 = arith.andi %eq3A_920, %lt3A_921 : i1
    %or3A_923 = arith.ori %gt3A_919, %and3A_922 : i1
    %select_n3A_924 = arith.select %or3A_923, %squeeze3A_837, %squeeze3A_835 : f32
    %select_n3A_925 = arith.select %or3A_923, %squeeze3A_869, %squeeze3A_867 : i32
    %gt3A_926 = arith.cmpf ogt, %select_n3A_882, %select_n3A_875 : f32
    %eq3A_927 = arith.cmpf oeq, %select_n3A_882, %select_n3A_875 : f32
    %lt3A_928 = arith.cmpi slt, %select_n3A_883, %select_n3A_876 : i32
    %and3A_929 = arith.andi %eq3A_927, %lt3A_928 : i1
    %or3A_930 = arith.ori %gt3A_926, %and3A_929 : i1
    %select_n3A_931 = arith.select %or3A_930, %select_n3A_882, %select_n3A_875 : f32
    %select_n3A_932 = arith.select %or3A_930, %select_n3A_883, %select_n3A_876 : i32
    %gt3A_933 = arith.cmpf ogt, %select_n3A_896, %select_n3A_889 : f32
    %eq3A_934 = arith.cmpf oeq, %select_n3A_896, %select_n3A_889 : f32
    %lt3A_935 = arith.cmpi slt, %select_n3A_897, %select_n3A_890 : i32
    %and3A_936 = arith.andi %eq3A_934, %lt3A_935 : i1
    %or3A_937 = arith.ori %gt3A_933, %and3A_936 : i1
    %select_n3A_938 = arith.select %or3A_937, %select_n3A_896, %select_n3A_889 : f32
    %select_n3A_939 = arith.select %or3A_937, %select_n3A_897, %select_n3A_890 : i32
    %gt3A_940 = arith.cmpf ogt, %select_n3A_910, %select_n3A_903 : f32
    %eq3A_941 = arith.cmpf oeq, %select_n3A_910, %select_n3A_903 : f32
    %lt3A_942 = arith.cmpi slt, %select_n3A_911, %select_n3A_904 : i32
    %and3A_943 = arith.andi %eq3A_941, %lt3A_942 : i1
    %or3A_944 = arith.ori %gt3A_940, %and3A_943 : i1
    %select_n3A_945 = arith.select %or3A_944, %select_n3A_910, %select_n3A_903 : f32
    %select_n3A_946 = arith.select %or3A_944, %select_n3A_911, %select_n3A_904 : i32
    %gt3A_947 = arith.cmpf ogt, %select_n3A_924, %select_n3A_917 : f32
    %eq3A_948 = arith.cmpf oeq, %select_n3A_924, %select_n3A_917 : f32
    %lt3A_949 = arith.cmpi slt, %select_n3A_925, %select_n3A_918 : i32
    %and3A_950 = arith.andi %eq3A_948, %lt3A_949 : i1
    %or3A_951 = arith.ori %gt3A_947, %and3A_950 : i1
    %select_n3A_952 = arith.select %or3A_951, %select_n3A_924, %select_n3A_917 : f32
    %select_n3A_953 = arith.select %or3A_951, %select_n3A_925, %select_n3A_918 : i32
    %gt3A_954 = arith.cmpf ogt, %select_n3A_938, %select_n3A_931 : f32
    %eq3A_955 = arith.cmpf oeq, %select_n3A_938, %select_n3A_931 : f32
    %lt3A_956 = arith.cmpi slt, %select_n3A_939, %select_n3A_932 : i32
    %and3A_957 = arith.andi %eq3A_955, %lt3A_956 : i1
    %or3A_958 = arith.ori %gt3A_954, %and3A_957 : i1
    %select_n3A_959 = arith.select %or3A_958, %select_n3A_938, %select_n3A_931 : f32
    %select_n3A_960 = arith.select %or3A_958, %select_n3A_939, %select_n3A_932 : i32
    %gt3A_961 = arith.cmpf ogt, %select_n3A_952, %select_n3A_945 : f32
    %eq3A_962 = arith.cmpf oeq, %select_n3A_952, %select_n3A_945 : f32
    %lt3A_963 = arith.cmpi slt, %select_n3A_953, %select_n3A_946 : i32
    %and3A_964 = arith.andi %eq3A_962, %lt3A_963 : i1
    %or3A_965 = arith.ori %gt3A_961, %and3A_964 : i1
    %select_n3A_966 = arith.select %or3A_965, %select_n3A_952, %select_n3A_945 : f32
    %select_n3A_967 = arith.select %or3A_965, %select_n3A_953, %select_n3A_946 : i32
    %gt3A_968 = arith.cmpf ogt, %select_n3A_966, %select_n3A_959 : f32
    %eq3A_969 = arith.cmpf oeq, %select_n3A_966, %select_n3A_959 : f32
    %lt3A_970 = arith.cmpi slt, %select_n3A_967, %select_n3A_960 : i32
    %and3A_971 = arith.andi %eq3A_969, %lt3A_970 : i1
    %or3A_972 = arith.ori %gt3A_968, %and3A_971 : i1
    %select_n3A_973 = arith.select %or3A_972, %select_n3A_966, %select_n3A_959 : f32
    %select_n3A_974 = arith.select %or3A_972, %select_n3A_967, %select_n3A_960 : i32
    %eq3A_975 = arith.constant 1 : i32
    %eq3A_976 = vector.broadcast %eq3A_975 : i32 to vector<16xi32>
    %eq3A_977 = arith.cmpi eq, %iota3A, %eq3A_976 : vector<16xi32>
    %broadcast_in_dim3A_978 = vector.broadcast %select_n3A_974 : i32 to vector<16xi32>
    %select_n3A_979 = arith.select %eq3A_977, %broadcast_in_dim3A_978, %select_n3A_503 : vector<16xi1>, vector<16xi32>
    %swap3A = arith.constant 0 : index
    %swap3A_980 = tpu.vector_load %arg5[%swap3A] {strides = array<i32>} : memref<16xi32, #tpu.memory_space<vmem>>, vector<16xi32>,
    %swap3A_981 = vector.shape_cast %swap3A_980 : vector<16xi32> to vector<16xi32>
    %swap3A_982 = vector.shape_cast %select_n3A_979 : vector<16xi32> to vector<16xi32>
    tpu.vector_store %arg5[%swap3A], %swap3A_982 {strides = array<i32>} : memref<16xi32, #tpu.memory_space<vmem>>, vector<16xi32>,
    "tpu.region"() ({
      %run_scoped3A = tpu.sem_alloc : memref<!tpu.dma_semaphore, #tpu.memory_space<semaphore_mem>>
      %dma_start3A_983 = arith.constant 0 : i32
      %dma_start3A_984 = tpu.memref_slice %arg3[%add3A, %dma_start3A_983] : memref<16x16xi32, #tpu.memory_space<hbm>> -> memref<1x16xi32, #tpu.memory_space<hbm>>
      %dma_start3A_985 = tpu.memref_squeeze %dma_start3A_984 : memref<1x16xi32, #tpu.memory_space<hbm>> -> memref<16xi32, #tpu.memory_space<hbm>>
      %dma_start3A_986 = arith.constant 0 : i32
      %dma_start3A_987 = tpu.memref_slice %arg3[%add3A, %dma_start3A_986] : memref<16x16xi32, #tpu.memory_space<hbm>> -> memref<1x16xi32, #tpu.memory_space<hbm>>
      %dma_start3A_988 = tpu.memref_squeeze %dma_start3A_987 : memref<1x16xi32, #tpu.memory_space<hbm>> -> memref<16xi32, #tpu.memory_space<hbm>>
      tpu.enqueue_dma source(%arg5 : memref<16xi32, #tpu.memory_space<vmem>>) target(%dma_start3A_988 : memref<16xi32, #tpu.memory_space<hbm>>) target_semaphore(%run_scoped3A : memref<!tpu.dma_semaphore, #tpu.memory_space<semaphore_mem>>)
      %dma_wait3A_989 = arith.constant 0 : i32
      %dma_wait3A_990 = tpu.memref_slice %arg3[%add3A, %dma_wait3A_989] : memref<16x16xi32, #tpu.memory_space<hbm>> -> memref<1x16xi32, #tpu.memory_space<hbm>>
      %dma_wait3A_991 = tpu.memref_squeeze %dma_wait3A_990 : memref<1x16xi32, #tpu.memory_space<hbm>> -> memref<16xi32, #tpu.memory_space<hbm>>
      %dma_wait3A_992 = arith.constant 0 : i32
      %dma_wait3A_993 = tpu.memref_slice %arg3[%add3A, %dma_wait3A_992] : memref<16x16xi32, #tpu.memory_space<hbm>> -> memref<1x16xi32, #tpu.memory_space<hbm>>
      %dma_wait3A_994 = tpu.memref_squeeze %dma_wait3A_993 : memref<1x16xi32, #tpu.memory_space<hbm>> -> memref<16xi32, #tpu.memory_space<hbm>>
      tpu.wait_dma2 semaphore(%run_scoped3A : memref<!tpu.dma_semaphore, #tpu.memory_space<semaphore_mem>>) src(%arg5 : memref<16xi32, #tpu.memory_space<vmem>>) dst(%dma_wait3A_994 : memref<16xi32, #tpu.memory_space<hbm>>)
      tpu.yield
    }) : () -> ()
    return
  }
}

module attributes {stable_mosaic.version = 14 : i64} {
  func.func @_tc_body(%arg0: i32, %arg1: memref<8x32768xf32, #tpu.memory_space<vmem>>, %arg2: memref<8x1xi32, #tpu.memory_space<vmem>>) attributes {dimension_semantics = [#tpu.dimension_semantics<arbitrary>], iteration_bounds = array<i64: 12>, scalar_prefetch = 0 : i64, scratch_operands = 0 : i64, tpu.core_type = #tpu.core_type<tc>, window_params = [{transform_indices = @transform_0, window_bounds = array<i64: 8, 32768>}, {transform_indices = @transform_1, window_bounds = array<i64: 8, 1>}]} {
    %get3A = arith.constant 0 : index
    %get3A_0 = arith.constant 0 : index
    %get3A_1 = vector.load %arg1[%get3A, %get3A_0] : memref<8x32768xf32, #tpu.memory_space<vmem>>, vector<8x32768xf32>
    %reduce_max3A = arith.constant dense<0xFF800000> : vector<8xf32>
    %reduce_max3A_2 = vector.multi_reduction <maximumf>, %get3A_1, %reduce_max3A [1] : vector<8x32768xf32> to vector<8xf32>
    %broadcast_in_dim3A = vector.shape_cast %reduce_max3A_2 : vector<8xf32> to vector<8x1xf32>
    %iota3A = tpu.iota {dimensions = array<i32: 1>} : vector<8x32768xi32>
    %eq3A = vector.broadcast %broadcast_in_dim3A : vector<8x1xf32> to vector<8x32768xf32>
    %eq3A_3 = arith.cmpf oeq, %get3A_1, %eq3A : vector<8x32768xf32>
    %jit3A = arith.constant 32768 : i32
    %broadcast_in_dim3A_4 = vector.broadcast %jit3A : i32 to vector<8x32768xi32>
    %select_n3A = arith.select %eq3A_3, %iota3A, %broadcast_in_dim3A_4 : vector<8x32768xi1>, vector<8x32768xi32>
    %reduce_min3A = arith.constant dense<2147483647> : vector<8xi32>
    %reduce_min3A_5 = vector.multi_reduction <minsi>, %select_n3A, %reduce_min3A [1] : vector<8x32768xi32> to vector<8xi32>
    %broadcast_in_dim3A_6 = vector.shape_cast %reduce_min3A_5 : vector<8xi32> to vector<8x1xi32>
    %swap3A = arith.constant 0 : index
    %swap3A_7 = arith.constant 0 : index
    %swap3A_8 = vector.load %arg2[%swap3A, %swap3A_7] : memref<8x1xi32, #tpu.memory_space<vmem>>, vector<8x1xi32>
    tpu.vector_store %arg2[%swap3A, %swap3A_7], %broadcast_in_dim3A_6 {strides = array<i32>} : memref<8x1xi32, #tpu.memory_space<vmem>>, vector<8x1xi32>,
    return
  }
  func.func @transform_0(%arg0: i32) -> (i32, i32) {
    %c0_i32 = arith.constant 0 : i32
    %c0_i32_0 = arith.constant 0 : i32
    return %arg0, %c0_i32 : i32, i32
  }
  func.func @transform_1(%arg0: i32) -> (i32, i32) {
    %c0_i32 = arith.constant 0 : i32
    %c0_i32_0 = arith.constant 0 : i32
    return %arg0, %c0_i32 : i32, i32
  }
}

</mosaic_0001>

<sc_bundles>
// kernel: kernel.4.cloned.1.call-start
scs
__scs_entry_jumppad:
0x0: {  	(pc) =	sbr.rel $0x88, $3  }
0x1: {  	(tag) =	ssettag $0x0;
	lr =	simm.s32 $0x1  }
0x2: {  	[smem:$0x3FA0] =	sst lr;
	_ =	strace $0xD0000000  }
0x3: {  	_ = 	snop  }
0x4: {  	_ = 	snop  }
0x5: {  	_ = 	snop  }
0x6: {  	_ = 	snop  }
0x7: {  	_ = 	snop  }
__scs_overlays_trampoline_lowered:
0x8: {  	[smem:$0x3FAF] =	sst s0  }
0x9: {  	[smem:$0x3FB0] =	sst s1  }
0xa: {  	[smem:$0x3FB1] =	sst s2  }
0xb: {  	[smem:$0x3FB2] =	sst s3  }
0xc: {  	[smem:$0x3FB3] =	sst s4  }
0xd: {  	[smem:$0x3FB4] =	sst s5  }
0xe: {  	[smem:$0x3FB5] =	sst s6  }
0xf: {  	[smem:$0x3FB6] =	sst s7  }
0x10: {  	[smem:$0x3FB7] =	sst s8  }
0x11: {  	[smem:$0x3FB8] =	sst s9;
	s0 =	simm.s32 @!p0 $0x0  }
0x12: {  	s1 =	sld [smem:$0x3F9E];
	s0 =	simm.s32 @p0 $0x1  }
0x13: {  	[smem:$0x3FB9] =	sst s0;
	s0 =	simm.s32 @!p1 $0x0  }
0x14: {  	s2 =	sld [smem:$0x3F9D];
	s0 =	simm.s32 @p1 $0x1  }
0x15: {  	[smem:$0x3FBA] =	sst s0;
	s0 =	simm.s32 @!p2 $0x0  }
0x16: {  	s3 =	sld [smem:$0x3FDB];
	s0 =	simm.s32 @p2 $0x1  }
0x17: {  	s4 =	simm.s32 $0x1BF5;
	[smem:$0x3FBC] =	sst s0  }
0x18: {  	s0 =	sld [smem:$0x3F9F];
	_ =	swait.ge [sflag:s4], $0x0  }
0x19: {  	s7 =	sld [smem:$0x3FA0]  }
0x1a: {  	s8 =	sadd.s32 $0xFFFFE003, lr  }
0x1b: {  	s9 =	sadd.s32 $0xFFFFFEF7, lr;
	s5 =	simm.s32 $0xFFFFFFFF;
	p2 =	slt.u32 s8, $0xFFFFF086  }
0x1c: {  	p1 =	slt.u32 s9, $0xF7A;
	s5 =	simm.s32 @!p2 $0x0  }
0x1d: {  	s5 =	simm.s32 @p1 $0x1;
	p0 =	seq.s32 s7, s2  }
0x1e: {  	s7 =	smul.u32 @!p0 $0xF7A, s2;
	p2 =	seq.s32 @!p0 s5, $0x0  }
0x1f: {  	s9 =	smul.u32 $0xF7A, s1;
	s8 =	simm.s32 @!p0 $0x1BF5;
	p2 =	por !p2, p0  }
0x20: {  	[sflag:s8] =	ssyncset.s32 @!p0 $0xFFFFF086;
	s6 =	sadd.s32 @!p0 s3, s7;
	s7 =	simm.s32 @!p0 $0x108  }
0x21: {  	s3 =	sadd.s32 s3, s9;
	s6 =	sadd.s32 @!p0 $0x88, s6;
	s7 =	simm.s32 @p2 $0x1082  }
0x22: {  	[simem:s7], [sflag:s8] =	dma.local @!p0 [hbm:s6], $0xF7A  }
0x23: {  	s9 =	sor.u32 $0xD0000000, s2;
	s6 =	simm.s32 $0x108;
	_ =	swait.ge @!p0 [sflag:s8], $0x0  }
0x24: {  	s3 =	sadd.s32 $0x88, s3;
	s6 =	simm.s32 @!p1 $0x1082;
	[sflag:s4] =	ssyncset.s32 $0xFFFFF086  }
0x25: {  	[simem:s6], [sflag:s4] =	dma.local [hbm:s3], $0xF7A  }
0x26: {  	[smem:$0x3FA0] =	sst s1;
	(tag) =	ssettag s2;
	_ =	strace s9  }
0x27: {  	s1 =	sld [smem:$0x3FB0]  }
0x28: {  	s2 =	sld [smem:$0x3FB1]  }
0x29: {  	s4 =	sld [smem:$0x3FB3]  }
0x2a: {  	p0 =	seq.s32 s5, $0x0;
	s5 =	sld [smem:$0x3FB4]  }
0x2b: {  	s6 =	sld [smem:$0x3FB5]  }
0x2c: {  	s7 =	sld [smem:$0x3FB6]  }
0x2d: {  	s3 =	simm.s32 $0x108;
	s8 =	sld [smem:$0x3FB7]  }
0x2e: {  	s3 =	simm.s32 @!p0 $0x1082;
	s9 =	sld [smem:$0x3FB8]  }
0x2f: {  	lr =	sadd.s32 s0, s3;
	s0 =	sld [smem:$0x3FAF]  }
0x30: {  	s3 =	sld [smem:$0x3FB2]  }
0x31: {  	[smem:$0x3FBB] =	sst s10  }
0x32: {  	s10 =	sld [smem:$0x3FB9];
	_ =	sdelay $0x3  }
0x33: {  	p0 =	seq.s32 s10, $0x1;
	s10 =	sld [smem:$0x3FBB];
	_ =	sdelay $0x3  }
0x34: {  	[smem:$0x3FBB] =	sst s10  }
0x35: {  	s10 =	sld [smem:$0x3FBA];
	_ =	sdelay $0x3  }
0x36: {  	p1 =	seq.s32 s10, $0x1;
	s10 =	sld [smem:$0x3FBB];
	_ =	sdelay $0x3  }
0x37: {  	[smem:$0x3FBB] =	sst s10  }
0x38: {  	s10 =	sld [smem:$0x3FBC]  }
0x39: {  	_ = 	snop;
	(pc) =	sbr.ind lr, $3  }
0x3a: {  	_ = 	snop  }
0x3b: {  	_ = 	snop  }
0x3c: {  	p2 =	seq.s32 s10, $0x1;
	s10 =	sld [smem:$0x3FBB]  }
0x3d: {  	_ =	shalt  }
0x3e: {  	_ =	shalt  }
0x3f: {  	_ =	shalt  }
0x40: {  	_ =	shalt  }
0x41: {  	_ =	shalt  }
0x42: {  	_ =	shalt  }
0x43: {  	_ =	shalt  }
0x44: {  	_ =	shalt  }
0x45: {  	_ =	shalt  }
0x46: {  	_ =	shalt  }
0x47: {  	_ =	shalt  }
0x48: {  	_ =	shalt  }
0x49: {  	_ =	shalt  }
0x4a: {  	_ =	shalt  }
0x4b: {  	_ =	shalt  }
0x4c: {  	_ =	shalt  }
0x4d: {  	_ =	shalt  }
0x4e: {  	_ =	shalt  }
0x4f: {  	_ =	shalt  }
0x50: {  	_ =	shalt  }
0x51: {  	_ =	shalt  }
0x52: {  	_ =	shalt  }
0x53: {  	_ =	shalt  }
0x54: {  	_ =	shalt  }
0x55: {  	_ =	shalt  }
0x56: {  	_ =	shalt  }
0x57: {  	_ =	shalt  }
0x58: {  	_ =	shalt  }
0x59: {  	_ =	shalt  }
0x5a: {  	_ =	shalt  }
0x5b: {  	_ =	shalt  }
0x5c: {  	_ =	shalt  }
0x5d: {  	_ =	shalt  }
0x5e: {  	_ =	shalt  }
0x5f: {  	_ =	shalt  }
0x60: {  	_ =	shalt  }
0x61: {  	_ =	shalt  }
0x62: {  	_ =	shalt  }
0x63: {  	_ =	shalt  }
0x64: {  	_ =	shalt  }
0x65: {  	_ =	shalt  }
0x66: {  	_ =	shalt  }
0x67: {  	_ =	shalt  }
0x68: {  	_ =	shalt  }
0x69: {  	_ =	shalt  }
0x6a: {  	_ =	shalt  }
0x6b: {  	_ =	shalt  }
0x6c: {  	_ =	shalt  }
0x6d: {  	_ =	shalt  }
0x6e: {  	_ =	shalt  }
0x6f: {  	_ =	shalt  }
0x70: {  	_ =	shalt  }
0x71: {  	_ =	shalt  }
0x72: {  	_ =	shalt  }
0x73: {  	_ =	shalt  }
0x74: {  	_ =	shalt  }
0x75: {  	_ =	shalt  }
0x76: {  	_ =	shalt  }
0x77: {  	_ =	shalt  }
0x78: {  	_ =	shalt  }
0x79: {  	_ =	shalt  }
0x7a: {  	_ =	shalt  }
0x7b: {  	_ =	shalt  }
0x7c: {  	_ =	shalt  }
0x7d: {  	_ =	shalt  }
0x7e: {  	_ =	shalt  }
0x7f: {  	_ =	shalt  }
0x80: {  	_ =	shalt  }
0x81: {  	_ =	shalt  }
0x82: {  	_ =	shalt  }
0x83: {  	_ =	shalt  }
0x84: {  	_ =	shalt  }
0x85: {  	_ =	shalt  }
0x86: {  	_ =	shalt  }
0x87: {  	_ =	shalt  }
.Lfunc_end0:
.L_simem_size_0:
called_computation_lowered:
.L_overlay_start_0:
0x88: {  	s0 =	sld [smem:$0x3FD9]  }
0x89: {  	s1 =	sld [smem:$0x3FFE];
	_ =	sdelay $0x3  }
0x8a: {  	s0 =	sadd.s32 s1, s0  }
0x8b: {  	[smem:$0x3FC7] =	sst s0  }
0x8c: {  	_ = 	snop  }
0x8d: {  	s0 =	sld [smem:$0x3FC9];
	(tm) =	ssettm $0x1  }
0x8e: {  	s16 =	sld [smem:$0x3FFB];
	_ =	sdelay $0x3  }
0x8f: {  	_ =	strace s16  }
0x90: {  	s1 =	sld [smem:$0x3FFC];
	_ =	sdelay $0x3  }
0x91: {  	_ =	strace s1  }
0x92: {  	s1 =	sld [smem:$0x3FFD];
	_ =	sdelay $0x3  }
0x93: {  	_ =	strace s1  }
0x94: {  	_ =	strace $0x8FFFFFFF  }
0x95: {  	s17 =	sld [smem:$0x3FDB];
	_ =	sdelay $0x1  }
0x96: {  	s2 =	simm.s32 $_scs_section_size  }
0x97: {  	s3 =	simm.s32 $_size__tile_overlayer_lowered;
	s4 =	simm.s32 $_tile_overlayer_lowered  }
0x98: {  	s20 =	simm.s32 $0x1BFF;
	s19 =	sshll.u32 s4, $0x1;
	s1 =	sadd.s32 s2, s17  }
0x99: {  	s5 =	simm.s32 $0x0;
	s18 =	sshll.u32 s3, $0x1;
	s3 =	sadd.s32 s19, s1  }
0x9a: {  	[timem:s5], [sflag:s20] =	dma.local [hbm:s3], s18  }
0x9b: {  	_ =	swait.ge [sflag:s20], s18  }
0x9c: {  	s2 =	ssub.s32 $0x0, s18;
	[sflag:s20] =	ssyncset.done $0x0  }
0x9d: {  	[sflag:s20] =	ssyncadd.s32 s2;
	_ =	sdelay $0x1  }
0x9e: {  	s21 =	simm.s32 $0x1B8B  }
0x9f: {  	_ =	swait.ge [sflag:s21], $0x1  }
0xa0: {  	[sflag:s21] =	ssyncset.done $0x0  }
0xa1: {  	s23 =	simm.s32 $0x1B8E;
	s22 =	sld [smem:$0x3FFE];
	[sflag:s21] =	ssyncadd.s32 $0xFFFFFFFF  }
0xa2: {  	s24 =	simm.s32 $execute0_lowered;
	[smem:$0x3FD2] =	sst s23  }
0xa3: {  	s3 =	sshll.u32 s24, $0x1;
	_ =	strace $0x80000046;
	[dreg:$0x1] =	wrdreg $0xFFFFFFFF  }
0xa4: {  	s25 =	simm.s32 $_size_execute0_lowered;
	s1 =	sadd.s32 s1, s3;
	[dreg:$0x0] =	wrdreg $0x0  }
0xa5: {  	s3 =	sshll.u32 s25, $0x1;
	[dreg:$0x2] =	wrdreg s1  }
0xa6: {  	[dreg:$0x3] =	wrdreg s3  }
0xa7: {  	[dreg:$0x4] =	wrdreg $0xC0  }
0xa8: {  	_ =	task [dreg:s5], $0x5FFFF  }
0xa9: {  	[dreg:$0x1] =	wrdreg $0xFFFFFFFF  }
0xaa: {  	[dreg:$0x0] =	wrdreg $0x60  }
0xab: {  	[dreg:$0x2] =	wrdreg s0  }
0xac: {  	[dreg:$0x3] =	wrdreg s22  }
0xad: {  	[dreg:$0x4] =	wrdreg $0x9  }
0xae: {  	_ =	task.clear_ibuf [dreg:s5], $0x5FFFF;
	_ =	strace $0x90000046  }
0xaf: {  	s26 =	simm.s32 $0x9;
	_ =	strace $0x80000048  }
0xb0: {  	_ =	swait.ge [sflag:s26], $0x1  }
0xb1: {  	[sflag:s26] =	ssyncadd.s32 $0xFFFFFFFF  }
0xb2: {  	_ =	strace $0x90000048  }
0xb3: {  	_ =	sfence  }
0xb4: {  	s28 =	sld [smem:$0x0];
	_ =	sdelay $0x1  }
0xb5: {  	s29 =	srdreg.scid  }
0xb6: {  	s30 =	sshll.u32 s29, $0xD;
	s31 =	sshrl.u32 s29, $0x2  }
0xb7: {  	s2 =	sand.u32 $0x4000, s30;
	s1 =	sand.u32 $0x1, s29;
	s0 =	sadd.s32 s31, s28  }
0xb8: {  	s1 =	sor.u32 s2, s1;
	s0 =	sshll.u32 s0, $0x11  }
0xb9: {  	s0 =	sor.u32 s0, s1  }
0xba: {  	s0 =	sadd.s32 $0x8F2B, s0  }
0xbb: {  	[sflag:s0] =	ssyncadd.remote.s32 $0x1  }
0xbc: {  	_ =	sfence.sel $0xFFFF  }
0xbd: {  	[dreg:$0x0] =	wrdreg $0xFFFFFFFF;
	(pc) =	sbr.abs _section_cstart, $3  }
0xbe: {  	[dreg:$0x1] =	wrdreg $0xFFFFFFFF  }
0xbf: {  	_ =	task.clear_ibuf [dreg:s5], $0x2FFFF;
	_ =	strace $0x9FFFFFFF  }
0xc0: {  	(tm) =	ssettm $0x7FFFFFFF  }
0xc1: {  	_ =	shalt  }
tec
execute0_lowered:
.L_overlay_start_1:
0x0: {  	(tag) =	ssettag $0x1  }
0x1: {  	s7 =	stileid.u32  }
0x2: {  	s0 =	rddreg [dreg:$0x0];
	s3 =	sshll.u32 s7, $0xD;
	s4 =	sshll.u32 s7, $0x5  }
0x3: {  	s2 =	rddreg [dreg:$0x1];
	s3 =	sor.u32 s4, s3  }
0x4: {  	s1 =	simm.s32 $0x0;
	s5 =	simm.s32 $0x0;
	s3 =	sand.u32 $0x18060, s3  }
0x5: {  	[smem:$0x7FF] =	sst s1;
	s2 =	sadd.s32 $0x600, s2;
	s3 =	sadd.s32 s3, s0  }
0x6: {  	_ =	strace $0x80000047;
	[dreg:$0x3] =	wrdreg s2;
	s2 =	sadd.s32 $0x60000, s3  }
0x7: {  	s4 =	simm.s32 $0x100;
	s3 =	simm.s32 $0x80;
	s6 =	sadd.s32 $0x0, s2  }
.LBB2_1:
0x8: {  	[tilespmem:s5], [sflag:$0x1] =	stream.linear.gather [hbm4b:s6+s1], $0x80, $0x38;
	[tilespmem:$0x10080] =	vst v63  }
0x9: {  	s6 =	smov.u32 s3;
	s5 =	smov.u32 s4;
	p0 =	sne.s32 s3, $0x7F80  }
.Ltmp0:
0xa: {  	s3 =	sadd.s32 $0x80, s3;
	(pc) =	sbr.rel @p0 .LBB2_1-.Ltmp0, $2  }
0xb: {  	_ =	sdelay $0x2  }
0xc: {  	s4 =	sadd.s32 $0x100, s4;
	s6 =	sadd.s32 s6, s2  }
0xd: {  	[tilespmem:s5], [sflag:$0x1] =	stream.linear.gather [hbm4b:s6+s1], $0x80, $0x38;
	[tilespmem:$0x10080] =	vst v63  }
0xe: {  	s31 =	sshll.u32 s7, $0x1  }
0xf: {  	s1 =	sor.u32 $0x61, s31  }
0x10: {  	s2 =	sshll.u32 s1, $0x4  }
0x11: {  	s1 =	sshll.u32 s1, $0xC;
	s2 =	sand.u32 $0x70, s2  }
0x12: {  	s1 =	sand.u32 $0x78000, s1;
	s0 =	sadd.s32 s0, s2  }
0x13: {  	s3 =	simm.s32 $0x80;
	s4 =	simm.s32 $0x180;
	s1 =	sadd.s32 s1, s0  }
0x14: {  	s2 =	simm.s32 $0x80;
	s0 =	simm.s32 $0x0;
	s5 =	sadd.s32 $0x0, s1  }
.LBB2_3:
0x15: {  	[tilespmem:s2], [sflag:$0x2] =	stream.linear.gather [hbm4b:s5+s0], $0x80, $0x38;
	[tilespmem:$0x10080] =	vst v63  }
0x16: {  	s5 =	smov.u32 s3;
	s2 =	smov.u32 s4;
	p0 =	sne.s32 s3, $0x7F80  }
.Ltmp1:
0x17: {  	s3 =	sadd.s32 $0x80, s3;
	(pc) =	sbr.rel @p0 .LBB2_3-.Ltmp1, $2  }
0x18: {  	_ =	sdelay $0x2  }
0x19: {  	s4 =	sadd.s32 $0x100, s4;
	s5 =	sadd.s32 s5, s1  }
0x1a: {  	[tilespmem:s2], [sflag:$0x2] =	stream.linear.gather [hbm4b:s5+s0], $0x80, $0x38;
	[tilespmem:$0x10080] =	vst v63  }
0x1b: {  	s29 =	simm.s32 $0x1  }
0x1c: {  	_ =	swait.ge [sflag:s29], $0x8000  }
0x1d: {  	[sflag:s29] =	ssyncset.done $0x0  }
0x1e: {  	s30 =	simm.s32 $0x40;
	[sflag:s29] =	ssyncadd.s32 $0xFFFF8000  }
0x1f: {  	v0 =	vld [tilespmem:s30+$0xFFFFFFC0]  }
0x20: {  	v1 =	vld [tilespmem:s30+$0xFFFFFFD0]  }
0x21: {  	v2 =	vld [tilespmem:s30+$0xFFFFFFE0]  }
0x22: {  	v5 =	vld [tilespmem:s30+$0xFFFFFFF0]  }
0x23: {  	v7 =	vld [tilespmem:s30+$0x0]  }
0x24: {  	v9 =	vld [tilespmem:s30+$0x10]  }
0x25: {  	v10 =	vld [tilespmem:s30+$0x20]  }
0x26: {  	s31 =	simm.s32 $0x140;
	v11 =	vld [tilespmem:s30+$0x30]  }
0x27: {  	v3 =	vld [tilespmem:s31+$0xFFFFFFC0]  }
0x28: {  	v6 =	vld [tilespmem:s31+$0xFFFFFFD0]  }
0x29: {  	v8 =	vld [tilespmem:s31+$0xFFFFFFE0]  }
0x2a: {  	v4 =	vld [tilespmem:s31+$0xFFFFFFF0];
	v0 =	vmax.f32 v0, v1  }
0x2b: {  	v1 =	vld [tilespmem:s31+$0x0];
	v2 =	vmax.f32 v2, v5;
	v7 =	vmax.f32 v7, v9;
	v9 =	vmax.f32 v10, v11  }
0x2c: {  	v5 =	vld [tilespmem:s31+$0x10];
	v0 =	vmax.f32 v0, v2;
	v9 =	vmax.f32 v7, v9  }
0x2d: {  	s0 =	simm.s32 $0x0;
	v2 =	vimm.f32 $-Inf;
	v7 =	vld [tilespmem:s31+$0x20];
	v10 =	vmax.f32 v0, v9  }
0x2e: {  	s1 =	simm.s32 $0x1;
	s2 =	simm.s32 $0x240;
	s3 =	simm.s32 $0x2;
	v0 =	vimm.s32 $0x0;
	v9 =	vld [tilespmem:s31+$0x30];
	vm0 =	vgt.f32 v10, v2  }
.LBB2_5:
0x2f: {  	v11 =	vld [tilespmem:s2+$0xFFFFFFC0];
	p0 =	sne.s32 s3, $0xFF;
	v2 =	vsel vm0, v10, v2;
	v0 =	vsel vm0, s0, v0;
	v10 =	vmov v4;
	s0 =	smov.u32 s1;
	s1 =	smov.u32 s3  }
0x30: {  	v12 =	vld [tilespmem:s2+$0xFFFFFFD0]  }
0x31: {  	v13 =	vld [tilespmem:s2+$0xFFFFFFE0]  }
.Ltmp2:
0x32: {  	v14 =	vmax.f32 v3, v6;
	v4 =	vld [tilespmem:s2+$0xFFFFFFF0];
	(pc) =	sbr.rel @p0 .LBB2_5-.Ltmp2, $4  }
0x33: {  	v15 =	vmax.f32 v8, v10;
	v8 =	vmax.f32 v1, v5;
	v1 =	vld [tilespmem:s2+$0x0];
	v7 =	vmax.f32 v7, v9  }
0x34: {  	v9 =	vmax.f32 v14, v15;
	v5 =	vld [tilespmem:s2+$0x10];
	v14 =	vmax.f32 v8, v7;
	v3 =	vmov v11  }
0x35: {  	v7 =	vld [tilespmem:s2+$0x20];
	v10 =	vmax.f32 v9, v14;
	v6 =	vmov v12  }
0x36: {  	s3 =	sadd.s32 $0x1, s3;
	v9 =	vld [tilespmem:s2+$0x30];
	s2 =	sadd.s32 $0x100, s2;
	vm0 =	vgt.f32 v10, v2;
	v8 =	vmov v13  }
0x37: {  	_ =	sdelay $0x2  }
0x38: {  	v3 =	vmax.f32 v3, v6  }
0x39: {  	v4 =	vmax.f32 v8, v4;
	v1 =	vmax.f32 v1, v5;
	v5 =	vmax.f32 v7, v9  }
0x3a: {  	v3 =	vmax.f32 v3, v4;
	v1 =	vmax.f32 v1, v5  }
0x3b: {  	v2 =	vsel vm0, v10, v2;
	v1 =	vmax.f32 v3, v1  }
0x3c: {  	vm1 =	vgt.f32 v1, v2  }
0x3d: {  	v1 =	vsel vm1, v1, v2  }
0x3e: {  	(v2sf) =	vpush v1, $0x0  }
0x3f: {  	(v2sf) =	vpush v1, $0x1  }
0x40: {  	(v2sf) =	vpush v1, $0x2  }
0x41: {  	(v2sf) =	vpush v1, $0x3  }
0x42: {  	(v2sf) =	vpush v1, $0x4  }
0x43: {  	(v2sf) =	vpush v1, $0x5  }
0x44: {  	(v2sf) =	vpush v1, $0x6  }
0x45: {  	(v2sf) =	vpush v1, $0x7  }
0x46: {  	(v2sf) =	vpush v1, $0x8  }
0x47: {  	(v2sf) =	vpush v1, $0x9  }
0x48: {  	(v2sf) =	vpush v1, $0xA  }
0x49: {  	(v2sf) =	vpush v1, $0xB  }
0x4a: {  	(v2sf) =	vpush v1, $0xC  }
0x4b: {  	(v2sf) =	vpush v1, $0xD  }
0x4c: {  	(v2sf) =	vpush v1, $0xE  }
0x4d: {  	v0 =	vsel vm0, s0, v0;
	s0 =	spop (v2sf);
	(v2sf) =	vpush v1, $0xF  }
0x4e: {  	v0 =	vsel vm1, s1, v0;
	s10 =	spop (v2sf)  }
0x4f: {  	(v2sf) =	vpush v0, $0x0;
	s6 =	spop (v2sf)  }
0x50: {  	(v2sf) =	vpush v0, $0x1;
	s15 =	spop (v2sf)  }
0x51: {  	(v2sf) =	vpush v0, $0x2;
	s3 =	spop (v2sf)  }
0x52: {  	(v2sf) =	vpush v0, $0x3;
	s18 =	spop (v2sf)  }
0x53: {  	(v2sf) =	vpush v0, $0x4;
	s9 =	spop (v2sf)  }
0x54: {  	(v2sf) =	vpush v0, $0x5;
	s19 =	spop (v2sf)  }
0x55: {  	s2 =	spop (v2sf)  }
0x56: {  	s17 =	spop (v2sf)  }
0x57: {  	(v2sf) =	vpush v0, $0x6;
	s5 =	spop (v2sf)  }
0x58: {  	(v2sf) =	vpush v0, $0x7;
	s16 =	spop (v2sf)  }
0x59: {  	s4 =	spop (v2sf)  }
0x5a: {  	(v2sf) =	vpush v0, $0x8;
	s14 =	spop (v2sf)  }
0x5b: {  	s7 =	spop (v2sf)  }
0x5c: {  	s12 =	spop (v2sf);
	(v2sf) =	vpush v0, $0x9  }
0x5d: {  	p0 =	seq.f32 s10, s0  }
0x5e: {  	p2 =	sgt.f32 s10, s0;
	s1 =	spop (v2sf);
	(v2sf) =	vpush v0, $0xA  }
0x5f: {  	p4 =	seq.f32 s15, s6;
	s13 =	spop (v2sf);
	(v2sf) =	vpush v0, $0xB  }
0x60: {  	p5 =	sgt.f32 s15, s6;
	s11 =	spop (v2sf);
	p1 =	slt.s32 s13, s1;
	(v2sf) =	vpush v0, $0xC  }
0x61: {  	p6 =	seq.f32 s18, s3;
	s20 =	spop (v2sf);
	p0 =	por !p0, !p1  }
0x62: {  	(v2sf) =	vpush v0, $0xD;
	s8 =	spop (v2sf);
	p0 =	por !p0, !p0;
	p3 =	slt.s32 s20, s11  }
0x63: {  	(v2sf) =	vpush v0, $0xE;
	p0 =	por p2, p0;
	p1 =	por !p4, !p3;
	s21 =	spop (v2sf)  }
0x64: {  	p3 =	sgt.f32 s18, s3;
	p4 =	seq.f32 s19, s9;
	p1 =	por !p1, !p1  }
0x65: {  	(v2sf) =	vpush v0, $0xF;
	s0 =	smov.u32 @p0 s10;
	s1 =	smov.u32 @p0 s13;
	p0 =	por p5, p1  }
0x66: {  	s13 =	spop (v2sf);
	p2 =	slt.s32 s21, s8;
	s6 =	smov.u32 @p0 s15  }
0x67: {  	s15 =	spop (v2sf);
	s11 =	smov.u32 @p0 s20;
	p0 =	por !p6, !p2  }
0x68: {  	p6 =	sgt.f32 s19, s9;
	p0 =	por !p0, !p0;
	p5 =	slt.s32 s15, s13  }
0x69: {  	s10 =	spop (v2sf);
	p0 =	por p3, p0;
	p1 =	por !p4, !p5  }
0x6a: {  	p4 =	seq.f32 s17, s2;
	s3 =	smov.u32 @p0 s18;
	p1 =	por !p1, !p1  }
0x6b: {  	s8 =	smov.u32 @p0 s21;
	p0 =	por p6, p1;
	s20 =	spop (v2sf)  }
0x6c: {  	p6 =	sgt.f32 s17, s2;
	s9 =	smov.u32 @p0 s19;
	p5 =	slt.s32 s20, s10  }
0x6d: {  	s13 =	smov.u32 @p0 s15;
	s18 =	spop (v2sf);
	p1 =	por !p4, !p5  }
0x6e: {  	s19 =	spop (v2sf);
	p4 =	seq.f32 s16, s5;
	p2 =	por !p1, !p1  }
0x6f: {  	s15 =	spop (v2sf);
	p5 =	slt.s32 s19, s18;
	p0 =	por p6, p2  }
0x70: {  	p6 =	sgt.f32 s16, s5;
	p1 =	por !p4, !p5;
	p4 =	seq.f32 s14, s4  }
0x71: {  	s2 =	smov.u32 @p0 s17;
	s17 =	spop (v2sf);
	p2 =	por !p1, !p1  }
0x72: {  	s10 =	smov.u32 @p0 s20;
	s20 =	spop (v2sf);
	p0 =	por p6, p2  }
0x73: {  	p5 =	slt.s32 s17, s15;
	p6 =	sgt.f32 s14, s4;
	p2 =	seq.f32 s12, s7  }
0x74: {  	s5 =	smov.u32 @p0 s16;
	s16 =	spop (v2sf);
	p1 =	por !p4, !p5  }
0x75: {  	s18 =	smov.u32 @p0 s19;
	p4 =	por !p1, !p1;
	p5 =	slt.s32 s16, s20  }
0x76: {  	p3 =	seq.f32 s5, s2;
	p0 =	por p6, p4;
	p6 =	sgt.f32 s12, s7  }
0x77: {  	p1 =	por !p2, !p5;
	p4 =	seq.f32 s6, s0;
	p5 =	slt.s32 s11, s1  }
0x78: {  	s4 =	smov.u32 @p0 s14;
	p1 =	por !p1, !p1;
	s15 =	smov.u32 @p0 s17  }
0x79: {  	p0 =	por p6, p1;
	p6 =	sgt.f32 s6, s0;
	p1 =	por !p4, !p5  }
0x7a: {  	p5 =	seq.f32 s9, s3;
	p4 =	slt.s32 s13, s8;
	p1 =	por !p1, !p1  }
0x7b: {  	s7 =	smov.u32 @p0 s12;
	s20 =	smov.u32 @p0 s16;
	p1 =	por p6, p1  }
0x7c: {  	p6 =	sgt.f32 s9, s3;
	p2 =	por !p5, !p4;
	p5 =	slt.s32 s18, s10  }
0x7d: {  	s0 =	smov.u32 @p1 s6;
	p2 =	por !p2, !p2;
	s1 =	smov.u32 @p1 s11  }
0x7e: {  	p1 =	por !p3, !p5;
	p0 =	por p6, p2;
	p6 =	seq.f32 s7, s4  }
0x7f: {  	p4 =	sgt.f32 s5, s2;
	p5 =	slt.s32 s20, s15;
	p1 =	por !p1, !p1  }
0x80: {  	s3 =	smov.u32 @p0 s9;
	p2 =	por !p6, !p5;
	p6 =	sgt.f32 s7, s4  }
0x81: {  	s8 =	smov.u32 @p0 s13;
	p0 =	por p4, p1;
	p5 =	por !p2, !p2  }
0x82: {  	s2 =	smov.u32 @p0 s5;
	s10 =	smov.u32 @p0 s18;
	p0 =	por p6, p5  }
0x83: {  	p6 =	seq.f32 s3, s0;
	s4 =	smov.u32 @p0 s7  }
0x84: {  	p2 =	slt.s32 s8, s1;
	s15 =	smov.u32 @p0 s20;
	p3 =	seq.f32 s4, s2  }
0x85: {  	p4 =	sgt.f32 s3, s0;
	p0 =	por !p6, !p2;
	p5 =	slt.s32 s15, s10  }
0x86: {  	p6 =	sgt.f32 s4, s2;
	p0 =	por !p0, !p0;
	p1 =	por !p3, !p5  }
0x87: {  	p0 =	por p4, p0;
	p1 =	por !p1, !p1  }
0x88: {  	s0 =	smov.u32 @p0 s3;
	s1 =	smov.u32 @p0 s8;
	p0 =	por p6, p1  }
0x89: {  	s2 =	smov.u32 @p0 s4;
	s10 =	smov.u32 @p0 s15  }
0x8a: {  	s3 =	smov.u32 s1;
	p0 =	seq.f32 s2, s0;
	p1 =	slt.s32 s10, s1  }
0x8b: {  	p2 =	sgt.f32 s2, s0;
	s3 =	smov.u32 @p1 s10  }
0x8c: {  	s1 =	smov.u32 @p0 s3  }
0x8d: {  	s1 =	smov.u32 @p2 s10  }
0x8e: {  	s26 =	sshll.u32 s1, $0xA  }
0x8f: {  	s0 =	sshra.s32 s26, $0x2  }
0x90: {  	v7 =	vld [tilespmem:s0+$0x0]  }
0x91: {  	v6 =	vld [tilespmem:s0+$0x10]  }
0x92: {  	v5 =	vld [tilespmem:s0+$0x20]  }
0x93: {  	v4 =	vld [tilespmem:s0+$0x30]  }
0x94: {  	v3 =	vld [tilespmem:s0+$0x40]  }
0x95: {  	v2 =	vld [tilespmem:s0+$0x50]  }
0x96: {  	s28 =	simm.s32 $0x2;
	v1 =	vld [tilespmem:s0+$0x60]  }
0x97: {  	v0 =	vld [tilespmem:s0+$0x70];
	_ =	swait.ge [sflag:s28], $0x8000  }
0x98: {  	[sflag:s28] =	ssyncset.done $0x0  }
0x99: {  	s29 =	simm.s32 $0xF0;
	[sflag:s28] =	ssyncadd.s32 $0xFFFF8000  }
0x9a: {  	v8 =	vld [tilespmem:s29+$0xFFFFFF90]  }
0x9b: {  	v9 =	vld [tilespmem:s29+$0xFFFFFFA0]  }
0x9c: {  	v11 =	vld [tilespmem:s29+$0xFFFFFFB0]  }
0x9d: {  	v15 =	vld [tilespmem:s29+$0xFFFFFFC0]  }
0x9e: {  	v17 =	vld [tilespmem:s29+$0xFFFFFFD0]  }
0x9f: {  	v18 =	vld [tilespmem:s29+$0xFFFFFFE0]  }
0xa0: {  	v19 =	vld [tilespmem:s29+$0xFFFFFFF0]  }
0xa1: {  	s31 =	simm.s32 $0x1F0;
	v20 =	vld [tilespmem:s29+$0x0]  }
0xa2: {  	v12 =	vld [tilespmem:s31+$0xFFFFFF90]  }
0xa3: {  	v14 =	vld [tilespmem:s31+$0xFFFFFFA0]  }
0xa4: {  	v16 =	vld [tilespmem:s31+$0xFFFFFFB0]  }
0xa5: {  	v13 =	vld [tilespmem:s31+$0xFFFFFFC0];
	v8 =	vmax.f32 v8, v9  }
0xa6: {  	v10 =	vld [tilespmem:s31+$0xFFFFFFD0];
	v9 =	vmax.f32 v11, v15;
	v15 =	vmax.f32 v17, v18;
	v17 =	vmax.f32 v19, v20  }
0xa7: {  	v11 =	vld [tilespmem:s31+$0xFFFFFFE0];
	v8 =	vmax.f32 v8, v9;
	v17 =	vmax.f32 v15, v17  }
0xa8: {  	s30 =	simm.s32 $0x1;
	v9 =	vimm.f32 $-Inf;
	v15 =	vld [tilespmem:s31+$0xFFFFFFF0];
	v18 =	vmax.f32 v8, v17  }
0xa9: {  	s2 =	simm.s32 $0x2F0;
	s3 =	simm.s32 $0x2;
	s0 =	simm.s32 $0x0;
	v8 =	vimm.s32 $0x0;
	v17 =	vld [tilespmem:s31+$0x0];
	vm0 =	vgt.f32 v18, v9  }
.LBB2_7:
0xaa: {  	v19 =	vld [tilespmem:s2+$0xFFFFFF90];
	p0 =	sne.s32 s3, $0xFF;
	v9 =	vsel vm0, v18, v9;
	v8 =	vsel vm0, s0, v8;
	v18 =	vmov v13;
	s0 =	smov.u32 s30;
	s30 =	smov.u32 s3  }
0xab: {  	v20 =	vld [tilespmem:s2+$0xFFFFFFA0]  }
0xac: {  	v21 =	vld [tilespmem:s2+$0xFFFFFFB0]  }
.Ltmp3:
0xad: {  	v22 =	vmax.f32 v12, v14;
	v13 =	vld [tilespmem:s2+$0xFFFFFFC0];
	(pc) =	sbr.rel @p0 .LBB2_7-.Ltmp3, $4  }
0xae: {  	v23 =	vmax.f32 v16, v18;
	v16 =	vmax.f32 v10, v11;
	v10 =	vld [tilespmem:s2+$0xFFFFFFD0];
	v15 =	vmax.f32 v15, v17  }
0xaf: {  	v17 =	vmax.f32 v22, v23;
	v11 =	vld [tilespmem:s2+$0xFFFFFFE0];
	v22 =	vmax.f32 v16, v15;
	v12 =	vmov v19  }
0xb0: {  	v15 =	vld [tilespmem:s2+$0xFFFFFFF0];
	v18 =	vmax.f32 v17, v22;
	v14 =	vmov v20  }
0xb1: {  	s3 =	sadd.s32 $0x1, s3;
	v17 =	vld [tilespmem:s2+$0x0];
	s2 =	sadd.s32 $0x100, s2;
	vm0 =	vgt.f32 v18, v9;
	v16 =	vmov v21  }
0xb2: {  	vm1 =	vlt.f32 v7, $-Inf;
	vm2 =	vgt.f32 v7, $-Inf  }
0xb3: {  	vm5 =	vmor vm2, vm1  }
0xb4: {  	v37 =	vnsel vm5, $0xFF800000, v7  }
0xb5: {  	vm6 =	vgt.f32 v6, v37  }
0xb6: {  	v6 =	vsel vm6, v6, v37  }
0xb7: {  	vm7 =	vgt.f32 v5, v6  }
0xb8: {  	v5 =	vsel vm7, v5, v6  }
0xb9: {  	vm8 =	vgt.f32 v4, v5  }
0xba: {  	v4 =	vsel vm8, v4, v5  }
0xbb: {  	vm4 =	vgt.f32 v3, v4  }
0xbc: {  	v3 =	vsel vm4, v3, v4  }
0xbd: {  	vm3 =	vgt.f32 v2, v3  }
0xbe: {  	v2 =	vsel vm3, v2, v3  }
0xbf: {  	vm9 =	vgt.f32 v1, v2  }
0xc0: {  	v1 =	vsel vm9, v1, v2  }
0xc1: {  	vm10 =	vgt.f32 v0, v1  }
0xc2: {  	v19 =	vsel vm10, v0, v1  }
0xc3: {  	(v2sf) =	vpush v19, $0x0  }
0xc4: {  	(v2sf) =	vpush v19, $0x1  }
0xc5: {  	(v2sf) =	vpush v19, $0x2  }
0xc6: {  	s1 =	sshll.u32 s1, $0x7;
	v38 =	vlaneseq.u32;
	(v2sf) =	vpush v19, $0x3  }
0xc7: {  	v39 =	vor.u32 s1, v38;
	v40 =	vor.u32 $0x10, v38;
	(v2sf) =	vpush v19, $0x4  }
0xc8: {  	v42 =	vor.u32 $0x20, v38;
	v44 =	vor.u32 $0x30, v38;
	(v2sf) =	vpush v19, $0x5  }
0xc9: {  	v46 =	vor.u32 $0x40, v38;
	v48 =	vor.u32 $0x50, v38;
	(v2sf) =	vpush v19, $0x6  }
0xca: {  	v50 =	vor.u32 $0x60, v38;
	v51 =	vor.u32 $0x70, v38;
	(v2sf) =	vpush v19, $0x7  }
0xcb: {  	v41 =	vor.u32 s1, v40;
	v0 =	vnsel vm5, $0x0, v39;
	(v2sf) =	vpush v19, $0x8  }
0xcc: {  	v43 =	vor.u32 s1, v42;
	v0 =	vsel vm6, v41, v0;
	(v2sf) =	vpush v19, $0x9  }
0xcd: {  	v45 =	vor.u32 s1, v44;
	v0 =	vsel vm7, v43, v0;
	(v2sf) =	vpush v19, $0xA  }
0xce: {  	v47 =	vor.u32 s1, v46;
	v1 =	vsel vm8, v45, v0;
	(v2sf) =	vpush v19, $0xB  }
0xcf: {  	v49 =	vor.u32 s1, v48;
	v1 =	vsel vm4, v47, v1;
	(v2sf) =	vpush v19, $0xC  }
0xd0: {  	v21 =	vor.u32 s1, v50;
	v20 =	vsel vm3, v49, v1;
	(v2sf) =	vpush v19, $0xD  }
0xd1: {  	v52 =	vor.u32 s1, v51;
	v20 =	vsel vm9, v21, v20;
	(v2sf) =	vpush v19, $0xE  }
0xd2: {  	v20 =	vsel vm10, v52, v20;
	(v2sf) =	vpush v19, $0xF;
	s28 =	spop (v2sf)  }
0xd3: {  	s8 =	spop (v2sf);
	(v2sf) =	vpush v20, $0x0  }
0xd4: {  	s22 =	spop (v2sf);
	(v2sf) =	vpush v20, $0x1  }
0xd5: {  	s9 =	spop (v2sf);
	(v2sf) =	vpush v20, $0x2  }
0xd6: {  	s24 =	spop (v2sf);
	(v2sf) =	vpush v20, $0x3  }
0xd7: {  	s10 =	spop (v2sf);
	(v2sf) =	vpush v20, $0x4  }
0xd8: {  	s11 =	spop (v2sf);
	(v2sf) =	vpush v20, $0x5  }
0xd9: {  	s12 =	spop (v2sf);
	(v2sf) =	vpush v20, $0x6  }
0xda: {  	s25 =	spop (v2sf);
	(v2sf) =	vpush v20, $0x7  }
0xdb: {  	s13 =	spop (v2sf);
	(v2sf) =	vpush v20, $0x8  }
0xdc: {  	s14 =	spop (v2sf);
	(v2sf) =	vpush v20, $0x9  }
0xdd: {  	v12 =	vmax.f32 v12, v14;
	v13 =	vmax.f32 v16, v13;
	s15 =	spop (v2sf);
	(v2sf) =	vpush v20, $0xA  }
0xde: {  	v10 =	vmax.f32 v10, v11;
	v53 =	vmax.f32 v15, v17;
	s26 =	spop (v2sf);
	(v2sf) =	vpush v20, $0xB  }
0xdf: {  	v12 =	vmax.f32 v12, v13;
	v10 =	vmax.f32 v10, v53;
	s16 =	spop (v2sf);
	(v2sf) =	vpush v20, $0xC  }
0xe0: {  	v9 =	vsel vm0, v18, v9;
	v10 =	vmax.f32 v12, v10;
	s17 =	spop (v2sf);
	(v2sf) =	vpush v20, $0xD  }
0xe1: {  	vm11 =	vgt.f32 v10, v9;
	s18 =	spop (v2sf);
	(v2sf) =	vpush v20, $0xE  }
0xe2: {  	v9 =	vsel vm11, v10, v9;
	s21 =	spop (v2sf);
	(v2sf) =	vpush v20, $0xF  }
0xe3: {  	s29 =	spop (v2sf);
	(v2sf) =	vpush v9, $0x0  }
0xe4: {  	s23 =	spop (v2sf);
	(v2sf) =	vpush v9, $0x1  }
0xe5: {  	s19 =	spop (v2sf);
	(v2sf) =	vpush v9, $0x2  }
0xe6: {  	s20 =	spop (v2sf);
	(v2sf) =	vpush v9, $0x3  }
0xe7: {  	(v2sf) =	vpush v9, $0x4;
	s31 =	spop (v2sf)  }
0xe8: {  	(v2sf) =	vpush v9, $0x5;
	s2 =	spop (v2sf)  }
0xe9: {  	(v2sf) =	vpush v9, $0x6;
	s3 =	spop (v2sf)  }
0xea: {  	[dreg:$0x19] =	wrdreg s31;
	(v2sf) =	vpush v9, $0x7;
	s31 =	spop (v2sf)  }
0xeb: {  	(v2sf) =	vpush v9, $0x8;
	s4 =	spop (v2sf)  }
0xec: {  	(v2sf) =	vpush v9, $0x9;
	s5 =	spop (v2sf)  }
0xed: {  	(v2sf) =	vpush v9, $0xA;
	s6 =	spop (v2sf)  }
0xee: {  	[dreg:$0x11] =	wrdreg s8;
	(v2sf) =	vpush v9, $0xB;
	s7 =	spop (v2sf)  }
0xef: {  	[dreg:$0x10] =	wrdreg s9;
	(v2sf) =	vpush v9, $0xC;
	s8 =	spop (v2sf)  }
0xf0: {  	[dreg:$0xc] =	wrdreg s10;
	(v2sf) =	vpush v9, $0xD;
	s9 =	spop (v2sf)  }
0xf1: {  	v8 =	vsel vm0, s0, v8;
	[dreg:$0xa] =	wrdreg s11;
	(v2sf) =	vpush v9, $0xE;
	s10 =	spop (v2sf)  }
0xf2: {  	v8 =	vsel vm11, s30, v8;
	[dreg:$0xb] =	wrdreg s12;
	(v2sf) =	vpush v9, $0xF;
	s30 =	spop (v2sf)  }
0xf3: {  	[dreg:$0x9] =	wrdreg s13;
	(v2sf) =	vpush v8, $0x0;
	s0 =	spop (v2sf)  }
0xf4: {  	[dreg:$0xf] =	wrdreg s10;
	(v2sf) =	vpush v8, $0x1;
	s10 =	spop (v2sf)  }
0xf5: {  	[dreg:$0x7] =	wrdreg s14;
	s12 =	spop (v2sf)  }
0xf6: {  	[dreg:$0x15] =	wrdreg s4;
	(v2sf) =	vpush v8, $0x2;
	s4 =	spop (v2sf)  }
0xf7: {  	[dreg:$0x8] =	wrdreg s15;
	(v2sf) =	vpush v8, $0x3;
	s15 =	spop (v2sf)  }
0xf8: {  	[dreg:$0x12] =	wrdreg s8;
	s8 =	spop (v2sf)  }
0xf9: {  	[dreg:$0x6] =	wrdreg s16;
	(v2sf) =	vpush v8, $0x4;
	s16 =	spop (v2sf)  }
0xfa: {  	[dreg:$0x4] =	wrdreg s17;
	(v2sf) =	vpush v8, $0x5;
	s1 =	spop (v2sf)  }
0xfb: {  	[dreg:$0x5] =	wrdreg s18;
	s18 =	spop (v2sf)  }
0xfc: {  	[dreg:$0x1a] =	wrdreg s19;
	(v2sf) =	vpush v8, $0x6;
	s13 =	spop (v2sf)  }
0xfd: {  	[dreg:$0x18] =	wrdreg s20;
	(v2sf) =	vpush v8, $0x7;
	s17 =	spop (v2sf)  }
0xfe: {  	[dreg:$0x16] =	wrdreg s2;
	s2 =	spop (v2sf)  }
0xff: {  	[dreg:$0x17] =	wrdreg s3;
	s19 =	spop (v2sf)  }
0x100: {  	[dreg:$0x13] =	wrdreg s5;
	(v2sf) =	vpush v8, $0x8;
	s11 =	spop (v2sf)  }
0x101: {  	[dreg:$0x14] =	wrdreg s6;
	s20 =	spop (v2sf);
	(v2sf) =	vpush v8, $0x9  }
0x102: {  	[dreg:$0xe] =	wrdreg s7;
	s3 =	spop (v2sf);
	(v2sf) =	vpush v8, $0xA  }
0x103: {  	p0 =	seq.f32 s0, s30;
	s5 =	spop (v2sf);
	(v2sf) =	vpush v8, $0xB  }
0x104: {  	[dreg:$0xd] =	wrdreg s9;
	p2 =	sgt.f32 s0, s30;
	p1 =	slt.s32 s5, s3  }
0x105: {  	p5 =	seq.f32 s12, s10;
	s14 =	spop (v2sf);
	p0 =	por !p0, !p1  }
0x106: {  	p3 =	sgt.f32 s12, s10;
	s6 =	spop (v2sf);
	p0 =	por !p0, !p0  }
0x107: {  	p4 =	seq.f32 s15, s4;
	(v2sf) =	vpush v8, $0xC;
	p6 =	slt.s32 s6, s14;
	p0 =	por p2, p0  }
0x108: {  	p1 =	por !p5, !p6;
	s3 =	smov.u32 @p0 s5;
	s5 =	spop (v2sf);
	(v2sf) =	vpush v8, $0xD  }
0x109: {  	s30 =	smov.u32 @p0 s0;
	p2 =	por !p1, !p1;
	s0 =	spop (v2sf);
	(v2sf) =	vpush v8, $0xE  }
0x10a: {  	p6 =	seq.f32 s16, s8;
	p0 =	por p3, p2;
	p2 =	sgt.f32 s15, s4;
	(v2sf) =	vpush v8, $0xF  }
0x10b: {  	p5 =	slt.s32 s0, s5;
	s9 =	spop (v2sf);
	s10 =	smov.u32 @p0 s12  }
0x10c: {  	s14 =	smov.u32 @p0 s6;
	p1 =	por !p4, !p5;
	s7 =	spop (v2sf)  }
0x10d: {  	p5 =	sgt.f32 s16, s8;
	p1 =	por !p1, !p1;
	p4 =	slt.s32 s7, s9  }
0x10e: {  	p1 =	por p2, p1;
	p3 =	por !p6, !p4;
	p2 =	seq.f32 s18, s1  }
0x10f: {  	p4 =	sgt.f32 s18, s1;
	s5 =	smov.u32 @p1 s0;
	s0 =	spop (v2sf)  }
0x110: {  	s4 =	smov.u32 @p1 s15;
	p6 =	por !p3, !p3;
	s12 =	spop (v2sf)  }
0x111: {  	p3 =	seq.f32 s17, s13;
	p0 =	por p5, p6;
	s6 =	spop (v2sf)  }
0x112: {  	s8 =	smov.u32 @p0 s16;
	p5 =	slt.s32 s12, s0;
	s15 =	spop (v2sf)  }
0x113: {  	s9 =	smov.u32 @p0 s7;
	p1 =	por !p2, !p5;
	p6 =	slt.s32 s15, s6  }
0x114: {  	p5 =	sgt.f32 s17, s13;
	p1 =	por !p1, !p1;
	p2 =	por !p3, !p6  }
0x115: {  	p0 =	por p4, p1;
	p3 =	seq.f32 s20, s11;
	p4 =	por !p2, !p2  }
0x116: {  	s1 =	smov.u32 @p0 s18;
	s0 =	smov.u32 @p0 s12;
	s12 =	spop (v2sf)  }
0x117: {  	p0 =	por p5, p4;
	p5 =	seq.f32 s19, s2;
	s7 =	spop (v2sf)  }
0x118: {  	p2 =	sgt.f32 s19, s2;
	p6 =	slt.s32 s7, s12;
	s16 =	spop (v2sf)  }
0x119: {  	s13 =	smov.u32 @p0 s17;
	p1 =	por !p5, !p6;
	s17 =	spop (v2sf)  }
0x11a: {  	s6 =	smov.u32 @p0 s15;
	p4 =	por !p1, !p1;
	p5 =	slt.s32 s17, s16  }
0x11b: {  	p6 =	sgt.f32 s20, s11;
	p0 =	por p2, p4;
	p1 =	por !p3, !p5  }
0x11c: {  	p4 =	seq.f32 s10, s30;
	p5 =	slt.s32 s14, s3;
	p1 =	por !p1, !p1  }
0x11d: {  	s2 =	smov.u32 @p0 s19;
	s12 =	smov.u32 @p0 s7;
	p0 =	por p6, p1  }
0x11e: {  	p6 =	sgt.f32 s10, s30;
	p1 =	por !p4, !p5;
	p4 =	seq.f32 s8, s4  }
0x11f: {  	p5 =	slt.s32 s9, s5;
	s11 =	smov.u32 @p0 s20;
	p1 =	por !p1, !p1  }
0x120: {  	s16 =	smov.u32 @p0 s17;
	p1 =	por p6, p1;
	p6 =	sgt.f32 s8, s4  }
0x121: {  	p3 =	por !p4, !p5;
	p5 =	seq.f32 s13, s1;
	s30 =	smov.u32 @p1 s10  }
0x122: {  	p4 =	por !p3, !p3;
	s3 =	smov.u32 @p1 s14;
	p3 =	seq.f32 s11, s2  }
0x123: {  	p0 =	por p6, p4;
	p6 =	slt.s32 s6, s0;
	p4 =	sgt.f32 s13, s1  }
0x124: {  	s4 =	smov.u32 @p0 s8;
	p1 =	por !p5, !p6;
	p5 =	slt.s32 s16, s12  }
0x125: {  	p6 =	sgt.f32 s11, s2;
	p1 =	por !p1, !p1;
	p2 =	por !p3, !p5  }
0x126: {  	s5 =	smov.u32 @p0 s9;
	p0 =	por p4, p1;
	p4 =	por !p2, !p2  }
0x127: {  	s1 =	smov.u32 @p0 s13;
	s0 =	smov.u32 @p0 s6;
	p0 =	por p6, p4  }
0x128: {  	p6 =	seq.f32 s4, s30;
	s2 =	smov.u32 @p0 s11  }
0x129: {  	p2 =	slt.s32 s5, s3;
	s12 =	smov.u32 @p0 s16;
	p3 =	seq.f32 s2, s1  }
0x12a: {  	p4 =	sgt.f32 s4, s30;
	p0 =	por !p6, !p2;
	p5 =	slt.s32 s12, s0  }
0x12b: {  	p6 =	sgt.f32 s2, s1;
	p0 =	por !p0, !p0;
	p1 =	por !p3, !p5  }
0x12c: {  	p0 =	por p4, p0;
	p1 =	por !p1, !p1  }
0x12d: {  	s30 =	smov.u32 @p0 s4;
	s3 =	smov.u32 @p0 s5;
	p0 =	por p6, p1  }
0x12e: {  	s1 =	smov.u32 @p0 s2;
	s0 =	smov.u32 @p0 s12  }
0x12f: {  	s2 =	smov.u32 s3;
	p0 =	seq.f32 s1, s30;
	p1 =	slt.s32 s0, s3  }
0x130: {  	p2 =	sgt.f32 s1, s30;
	s2 =	smov.u32 @p1 s0  }
0x131: {  	s18 =	rddreg [dreg:$0x6];
	s3 =	smov.u32 @p0 s2  }
0x132: {  	s15 =	rddreg [dreg:$0x9];
	s3 =	smov.u32 @p2 s0  }
0x133: {  	s19 =	rddreg [dreg:$0x5];
	s0 =	sshll.u32 s3, $0xA  }
0x134: {  	s17 =	rddreg [dreg:$0x8];
	s0 =	sshra.s32 s0, $0x2  }
0x135: {  	s14 =	rddreg [dreg:$0xb];
	v54 =	vld [tilespmem:s0+$0x80]  }
0x136: {  	s10 =	rddreg [dreg:$0x13]  }
0x137: {  	s8 =	rddreg [dreg:$0x16]  }
0x138: {  	s6 =	rddreg [dreg:$0x1a];
	v55 =	vld [tilespmem:s0+$0x90]  }
0x139: {  	s13 =	rddreg [dreg:$0xc]  }
0x13a: {  	s16 =	rddreg [dreg:$0x7];
	v56 =	vld [tilespmem:s0+$0xA0];
	vm12 =	vlt.f32 v54, $-Inf;
	vm13 =	vgt.f32 v54, $-Inf  }
0x13b: {  	s11 =	rddreg [dreg:$0x11];
	s7 =	smov.u32 s16;
	vm14 =	vmor vm13, vm12  }
0x13c: {  	p4 =	sgt.f32 s11, s28;
	p5 =	slt.s32 s6, s23;
	s12 =	rddreg [dreg:$0x10];
	v57 =	vld [tilespmem:s0+$0xB0];
	v8 =	vnsel vm14, $0xFF800000, v54  }
0x13d: {  	s5 =	rddreg [dreg:$0x19];
	s4 =	smov.u32 s13;
	p3 =	seq.f32 s12, s22;
	vm15 =	vgt.f32 v55, v8  }
0x13e: {  	p6 =	sgt.f32 s12, s22;
	s1 =	smov.u32 s12;
	p1 =	seq.f32 s11, s28;
	v58 =	vld [tilespmem:s0+$0xC0];
	v8 =	vsel vm15, v55, v8  }
0x13f: {  	s12 =	rddreg [dreg:$0x12];
	s2 =	smov.u32 s11;
	p2 =	slt.s32 s29, s21;
	vm8 =	vgt.f32 v56, v8  }
0x140: {  	s11 =	rddreg [dreg:$0x15];
	p0 =	por !p1, !p2;
	p1 =	por !p3, !p5;
	v59 =	vld [tilespmem:s0+$0xD0];
	v8 =	vsel vm8, v56, v8  }
0x141: {  	s20 =	sshll.u32 s3, $0x7;
	p0 =	por !p0, !p0;
	p1 =	por !p1, !p1;
	vm9 =	vgt.f32 v57, v8  }
0x142: {  	s3 =	smov.u32 s19;
	v60 =	vld [tilespmem:s0+$0xE0];
	p0 =	por p4, p0;
	p1 =	por p6, p1;
	v8 =	vsel vm9, v57, v8  }
0x143: {  	p4 =	seq.f32 s13, s24;
	p6 =	sgt.f32 s13, s24;
	s28 =	smov.u32 @p0 s2;
	vm10 =	vgt.f32 v58, v8  }
0x144: {  	v61 =	vld [tilespmem:s0+$0xF0];
	s21 =	smov.u32 @p0 s29;
	s22 =	smov.u32 @p1 s1;
	s29 =	rddreg [dreg:$0x18];
	v8 =	vsel vm10, v58, v8  }
0x145: {  	s2 =	rddreg [dreg:$0xa];
	s23 =	smov.u32 @p1 s6;
	p5 =	slt.s32 s5, s29;
	vm11 =	vgt.f32 v59, v8  }
0x146: {  	s6 =	rddreg [dreg:$0x17];
	p0 =	por !p4, !p5;
	p4 =	seq.f32 s14, s2;
	v8 =	vsel vm11, v59, v8  }
0x147: {  	s1 =	smov.u32 s14;
	p5 =	slt.s32 s6, s8;
	p0 =	por !p0, !p0;
	vm12 =	vgt.f32 v60, v8  }
0x148: {  	p0 =	por p6, p0;
	p6 =	sgt.f32 s14, s2;
	p1 =	por !p4, !p5;
	v8 =	vsel vm12, v60, v8  }
0x149: {  	p4 =	seq.f32 s15, s25;
	p5 =	slt.s32 s11, s31;
	s24 =	smov.u32 @p0 s4;
	vm13 =	vgt.f32 v61, v8  }
0x14a: {  	p1 =	por !p1, !p1;
	s29 =	smov.u32 @p0 s5;
	s4 =	smov.u32 s15;
	v8 =	vsel vm13, v61, v8  }
0x14b: {  	s5 =	rddreg [dreg:$0x14];
	s9 =	smov.u32 s29;
	p0 =	por p6, p1;
	(v2sf) =	vpush v8, $0x0  }
0x14c: {  	p6 =	sgt.f32 s15, s25;
	p1 =	por !p4, !p5;
	p4 =	seq.f32 s17, s16  }
0x14d: {  	p5 =	slt.s32 s5, s10;
	s29 =	rddreg [dreg:$0xe];
	s2 =	smov.u32 @p0 s1  }
0x14e: {  	p1 =	por !p1, !p1;
	s1 =	smov.u32 s17;
	s8 =	smov.u32 @p0 s6;
	(v2sf) =	vpush v8, $0x1  }
0x14f: {  	s6 =	rddreg [dreg:$0x4];
	p1 =	por p6, p1;
	p6 =	sgt.f32 s17, s16;
	(v2sf) =	vpush v8, $0x2  }
0x150: {  	p2 =	por !p4, !p5;
	p4 =	seq.f32 s18, s26;
	p5 =	slt.s32 s12, s29;
	(v2sf) =	vpush v8, $0x3  }
0x151: {  	p3 =	seq.f32 s19, s6;
	s25 =	smov.u32 @p1 s4;
	p2 =	por !p2, !p2;
	(v2sf) =	vpush v8, $0x4  }
0x152: {  	s31 =	smov.u32 @p1 s11;
	s4 =	smov.u32 s18;
	s11 =	rddreg [dreg:$0xf];
	(v2sf) =	vpush v8, $0x5  }
0x153: {  	p0 =	por p6, p2;
	p6 =	sgt.f32 s18, s26;
	p2 =	slt.s32 s23, s21;
	(v2sf) =	vpush v8, $0x6  }
0x154: {  	s7 =	smov.u32 @p0 s1;
	s10 =	smov.u32 @p0 s5;
	p0 =	por !p4, !p5;
	(v2sf) =	vpush v8, $0x7  }
0x155: {  	s5 =	rddreg [dreg:$0xd];
	p5 =	sgt.f32 s19, s6;
	p0 =	por !p0, !p0;
	(v2sf) =	vpush v8, $0x8  }
0x156: {  	p4 =	slt.s32 s11, s5;
	p0 =	por p6, p0;
	p6 =	seq.f32 s22, s28  }
0x157: {  	p1 =	por !p3, !p4;
	p4 =	sgt.f32 s22, s28;
	p3 =	seq.f32 s7, s25  }
0x158: {  	v7 =	vor.u32 s20, v38;
	s26 =	smov.u32 @p0 s4;
	p1 =	por !p1, !p1;
	s29 =	smov.u32 @p0 s12;
	(v2sf) =	vpush v8, $0x9  }
0x159: {  	v5 =	vor.u32 s20, v40;
	v7 =	vnsel vm14, $0x0, v7;
	p0 =	por p5, p1;
	p1 =	por !p6, !p2;
	p5 =	seq.f32 s2, s24;
	(v2sf) =	vpush v8, $0xA  }
0x15a: {  	v6 =	vor.u32 s20, v42;
	v5 =	vsel vm15, v5, v7;
	p6 =	slt.s32 s8, s9;
	s6 =	smov.u32 @p0 s3;
	s0 =	spop (v2sf);
	(v2sf) =	vpush v8, $0xB  }
0x15b: {  	v3 =	vor.u32 s20, v44;
	v5 =	vsel vm8, v6, v5;
	p1 =	por !p1, !p1;
	s5 =	smov.u32 @p0 s11;
	s3 =	smov.u32 s2  }
0x15c: {  	v4 =	vor.u32 s20, v46;
	v3 =	vsel vm9, v3, v5;
	s13 =	smov.u32 s5;
	p0 =	por p4, p1;
	p1 =	por !p5, !p6  }
0x15d: {  	v0 =	vor.u32 s20, v48;
	v3 =	vsel vm10, v4, v3;
	p4 =	slt.s32 s10, s31;
	p5 =	sgt.f32 s7, s25;
	s4 =	spop (v2sf);
	(v2sf) =	vpush v8, $0xC  }
0x15e: {  	v1 =	vor.u32 s20, v50;
	v0 =	vsel vm11, v0, v3;
	s28 =	smov.u32 @p0 s22;
	s21 =	smov.u32 @p0 s23;
	s19 =	spop (v2sf);
	(v2sf) =	vpush v8, $0xD  }
0x15f: {  	v62 =	vor.u32 s20, v51;
	v0 =	vsel vm12, v1, v0;
	p0 =	sgt.f32 s2, s24;
	p1 =	por !p1, !p1;
	s30 =	spop (v2sf);
	(v2sf) =	vpush v8, $0xE  }
0x160: {  	p2 =	por !p3, !p4;
	p3 =	slt.s32 s13, s29;
	v0 =	vsel vm13, v62, v0;
	s1 =	spop (v2sf);
	(v2sf) =	vpush v8, $0xF  }
0x161: {  	p6 =	por !p2, !p2;
	p0 =	por p0, p1;
	s5 =	spop (v2sf);
	(v2sf) =	vpush v0, $0x0  }
0x162: {  	p2 =	seq.f32 s6, s26;
	s24 =	smov.u32 @p0 s3;
	s14 =	spop (v2sf);
	(v2sf) =	vpush v0, $0x1  }
0x163: {  	s9 =	smov.u32 @p0 s8;
	p0 =	por p5, p6;
	s23 =	spop (v2sf);
	(v2sf) =	vpush v0, $0x2  }
0x164: {  	p1 =	por !p2, !p3;
	s25 =	smov.u32 @p0 s7;
	s2 =	spop (v2sf);
	(v2sf) =	vpush v0, $0x3  }
0x165: {  	s31 =	smov.u32 @p0 s10;
	p0 =	sgt.f32 s6, s26;
	p4 =	seq.f32 s24, s28  }
0x166: {  	p1 =	por !p1, !p1;
	p5 =	slt.s32 s9, s21;
	p6 =	sgt.f32 s24, s28  }
0x167: {  	p2 =	por !p4, !p5;
	p0 =	por p0, p1;
	s22 =	spop (v2sf);
	(v2sf) =	vpush v0, $0x4  }
0x168: {  	p2 =	por !p2, !p2;
	s26 =	smov.u32 @p0 s6;
	s12 =	spop (v2sf);
	(v2sf) =	vpush v0, $0x5  }
0x169: {  	s29 =	smov.u32 @p0 s13;
	p3 =	seq.f32 s26, s25;
	s11 =	spop (v2sf);
	(v2sf) =	vpush v0, $0x6  }
0x16a: {  	p1 =	por p6, p2;
	p4 =	slt.s32 s29, s31;
	p0 =	sgt.f32 s26, s25  }
0x16b: {  	s28 =	smov.u32 @p1 s24;
	s21 =	smov.u32 @p1 s9;
	p1 =	por !p3, !p4  }
0x16c: {  	p1 =	por !p1, !p1;
	s10 =	spop (v2sf);
	(v2sf) =	vpush v0, $0x7  }
0x16d: {  	p0 =	por p0, p1;
	s8 =	spop (v2sf);
	(v2sf) =	vpush v0, $0x8  }
0x16e: {  	s16 =	simm.s32 @!p0 $0x0;
	s3 =	spop (v2sf);
	(v2sf) =	vpush v0, $0x9  }
0x16f: {  	s16 =	simm.s32 @p0 $0x1;
	s6 =	spop (v2sf)  }
0x170: {  	[smem:$0x7FD] =	sst s16;
	(v2sf) =	vpush v0, $0xA;
	s9 =	spop (v2sf)  }
0x171: {  	s25 =	smov.u32 @p0 s26;
	p5 =	seq.f32 s4, s0;
	(v2sf) =	vpush v0, $0xB;
	s13 =	spop (v2sf)  }
0x172: {  	p3 =	sgt.f32 s4, s0;
	(v2sf) =	vpush v0, $0xC;
	p6 =	slt.s32 s13, s9;
	s7 =	spop (v2sf)  }
0x173: {  	p4 =	seq.f32 s30, s19;
	(v2sf) =	vpush v0, $0xD;
	p2 =	por !p5, !p6;
	s15 =	spop (v2sf)  }
0x174: {  	s24 =	sld [smem:$0x7FD];
	p2 =	por !p2, !p2;
	p5 =	slt.s32 s15, s7  }
0x175: {  	p6 =	sgt.f32 s30, s19;
	p1 =	por p3, p2;
	p2 =	por !p4, !p5  }
0x176: {  	p3 =	seq.f32 s5, s1;
	s0 =	smov.u32 @p1 s4;
	s4 =	spop (v2sf)  }
0x177: {  	(v2sf) =	vpush v0, $0xE;
	p2 =	por !p2, !p2;
	s9 =	smov.u32 @p1 s13;
	s13 =	spop (v2sf)  }
0x178: {  	p1 =	por p6, p2;
	p6 =	slt.s32 s13, s4;
	s16 =	spop (v2sf);
	(v2sf) =	vpush v0, $0xF  }
0x179: {  	p4 =	seq.f32 s23, s14;
	p5 =	sgt.f32 s5, s1;
	p2 =	por !p3, !p6  }
0x17a: {  	s19 =	smov.u32 @p1 s30;
	s7 =	smov.u32 @p1 s15;
	p2 =	por !p2, !p2  }
0x17b: {  	p6 =	sgt.f32 s23, s14;
	s17 =	spop (v2sf);
	p1 =	por p5, p2  }
0x17c: {  	p0 =	slt.s32 s17, s16;
	s1 =	smov.u32 @p1 s5;
	s5 =	spop (v2sf)  }
0x17d: {  	s4 =	smov.u32 @p1 s13;
	p3 =	por !p4, !p0;
	s18 =	spop (v2sf)  }
0x17e: {  	p4 =	seq.f32 s11, s12;
	p5 =	por !p3, !p3;
	p3 =	sgt.f32 s22, s2  }
0x17f: {  	s15 =	spop (v2sf);
	p1 =	por p6, p5;
	p6 =	seq.f32 s22, s2  }
0x180: {  	p0 =	slt.s32 s18, s5;
	s20 =	spop (v2sf);
	s14 =	smov.u32 @p1 s23  }
0x181: {  	s16 =	smov.u32 @p1 s17;
	s13 =	spop (v2sf);
	p2 =	por !p6, !p0  }
0x182: {  	p6 =	slt.s32 s20, s15;
	p0 =	sgt.f32 s11, s12;
	s17 =	spop (v2sf)  }
0x183: {  	p5 =	por !p2, !p2;
	p2 =	por !p4, !p6;
	p6 =	slt.s32 s17, s13  }
0x184: {  	p1 =	por p3, p5;
	p2 =	por !p2, !p2;
	p5 =	seq.f32 s8, s10  }
0x185: {  	s2 =	smov.u32 @p1 s22;
	p2 =	por p0, p2;
	s5 =	smov.u32 @p1 s18  }
0x186: {  	p0 =	sgt.f32 s8, s10;
	s12 =	smov.u32 @p2 s11;
	s11 =	spop (v2sf)  }
0x187: {  	p1 =	por !p5, !p6;
	p5 =	seq.f32 s6, s3;
	s18 =	spop (v2sf)  }
0x188: {  	s15 =	smov.u32 @p2 s20;
	p1 =	por !p1, !p1;
	p6 =	slt.s32 s18, s11  }
0x189: {  	p1 =	por p0, p1;
	p0 =	sgt.f32 s6, s3;
	p2 =	por !p5, !p6  }
0x18a: {  	s10 =	smov.u32 @p1 s8;
	p6 =	seq.f32 s19, s0;
	p5 =	por !p2, !p2  }
0x18b: {  	s13 =	smov.u32 @p1 s17;
	p1 =	por p0, p5;
	p0 =	slt.s32 s7, s9  }
0x18c: {  	p4 =	seq.f32 s14, s1;
	p5 =	sgt.f32 s19, s0;
	p2 =	por !p6, !p0  }
0x18d: {  	p6 =	slt.s32 s16, s4;
	p0 =	sgt.f32 s14, s1;
	s3 =	smov.u32 @p1 s6  }
0x18e: {  	s11 =	smov.u32 @p1 s18;
	p2 =	por !p2, !p2;
	p3 =	por !p4, !p6  }
0x18f: {  	p6 =	seq.f32 s12, s2;
	p4 =	seq.f32 s3, s10;
	p2 =	por p5, p2  }
0x190: {  	p3 =	por !p3, !p3;
	p5 =	sgt.f32 s12, s2;
	s0 =	smov.u32 @p2 s19  }
0x191: {  	p1 =	por p0, p3;
	s9 =	smov.u32 @p2 s7;
	p0 =	slt.s32 s15, s5  }
0x192: {  	p3 =	slt.s32 s11, s13;
	s1 =	smov.u32 @p1 s14;
	s4 =	smov.u32 @p1 s16  }
0x193: {  	p2 =	por !p6, !p0;
	p0 =	sgt.f32 s3, s10;
	p3 =	por !p4, !p3  }
0x194: {  	p1 =	sgt.f32 s25, s28;
	p6 =	por !p2, !p2;
	p3 =	por !p3, !p3  }
0x195: {  	p4 =	por p5, p6;
	p0 =	por p0, p3;
	p3 =	seq.f32 s1, s0  }
0x196: {  	p6 =	slt.s32 s4, s9;
	s2 =	smov.u32 @p4 s12;
	s10 =	smov.u32 @p0 s3  }
0x197: {  	s5 =	smov.u32 @p4 s15;
	s13 =	smov.u32 @p0 s11;
	p4 =	seq.f32 s10, s2  }
0x198: {  	p5 =	sgt.f32 s1, s0;
	p0 =	por !p3, !p6;
	p6 =	slt.s32 s13, s5  }
0x199: {  	p2 =	seq.f32 s25, s28;
	p0 =	por !p0, !p0;
	p3 =	por !p4, !p6  }
0x19a: {  	p4 =	sgt.f32 s10, s2;
	p6 =	seq.s32 s24, $0x1;
	p0 =	por p5, p0  }
0x19b: {  	s31 =	smov.u32 @p6 s29;
	p3 =	por !p3, !p3;
	s0 =	smov.u32 @p0 s1  }
0x19c: {  	s9 =	smov.u32 @p0 s4;
	s1 =	smov.u32 s21;
	p0 =	por p4, p3  }
0x19d: {  	p3 =	slt.s32 s31, s21;
	s2 =	smov.u32 @p0 s10;
	s5 =	smov.u32 @p0 s13  }
0x19e: {  	s1 =	smov.u32 @p3 s31;
	p0 =	sgt.f32 s2, s0;
	p3 =	seq.f32 s2, s0  }
0x19f: {  	s21 =	smov.u32 @p2 s1;
	p2 =	slt.s32 s5, s9;
	s0 =	smov.u32 s9  }
0x1a0: {  	s21 =	smov.u32 @p1 s31;
	s0 =	smov.u32 @p2 s5  }
0x1a1: {  	vm14 =	vcmask $0x300;
	s9 =	smov.u32 @p3 s0;
	v63 =	vmov s21  }
0x1a2: {  	vm15 =	vcmask $0x704;
	s25 =	stileid.u32;
	s9 =	smov.u32 @p0 s5;
	v0 =	vnsel vm14, $0x0, v63  }
0x1a3: {  	s30 =	simm.s32 $0x10000;
	s28 =	rddreg [dreg:$0x3];
	s26 =	sshll.u32 s25, $0x4;
	v0 =	vsel vm15, s9, v0  }
0x1a4: {  	s29 =	simm.s32 $0x0;
	s31 =	simm.s32 $0x3;
	s0 =	sadd.s32 s28, s26;
	[tilespmem:$0x10000] =	vst v0  }
0x1a5: {  	[hbm4b:s0+s29] =	stream.linear.scatter [tilespmem:s30], [sflag:$0x3], $0x80, $0x38;
	[tilespmem:$0x10080] =	vst v63  }
0x1a6: {  	_ =	swait.ge [sflag:s31], $0x80  }
0x1a7: {  	[sflag:s31] =	ssyncset.done $0x0  }
0x1a8: {  	[sflag:s31] =	ssyncadd.s32 $0xFFFFFF80  }
0x1a9: {  	_ =	sfence.sel $0x180000  }
0x1aa: {  	[bflag:$0x0] =	sbarrier.arrive $0xFFFF  }
0x1ab: {  	_ =	strace $0x90000047  }
0x1ac: {  	[bflag:$0x2] =	sbarrier.arrive $0xFFFF  }
0x1ad: {  	p0 =	sne.s32 s25, $0x0;
	s0 =	rddreg [dreg:$0x2]  }
0x1ae: {  	s0 =	sadd.s32 @!p0 $0x100000, s0  }
0x1af: {  	[sflag:s0] =	ssyncadd.tile.s32 @!p0 $0x1;
	_ =	shalt  }
.Lfunc_end2:
_tile_overlayer_lowered:
.L_overlay_start_2:
0x1b0: {  	(tag) =	ssettag $0x2  }
0x1b1: {  	s0 =	rddreg [dreg:$0x0];
	s2 =	stileid.u32  }
0x1b2: {  	s1 =	rddreg [dreg:$0x1];
	p0 =	sne.s32 s2, $0x0  }
0x1b3: {  	s3 =	rddreg [dreg:$0x2];
	[bflag:$0x3] =	sbarrier.arrive $0xFFFF;
	s2 =	simm.s32 @!p0 $0x1C03  }
0x1b4: {  	[timem:s3], [sflag:s2] =	dma.local @!p0 [hbm:s0], s1  }
0x1b5: {  	s0 =	simm.s32 @!p0 $0x3  }
0x1b6: {  	_ =	swait.ge @!p0 [sflag:s0], s1  }
0x1b7: {  	s1 =	ssub.s32 @!p0 $0x0, s1;
	[sflag:s0] =	ssyncset.done @!p0 $0x0  }
0x1b8: {  	[sflag:s0] =	ssyncadd.s32 @!p0 s1  }
0x1b9: {  	[bflag:$0x3] =	sbarrier.arrive $0xFFFF  }
0x1ba: {  	_ =	shalt  }

</sc_bundles>
